<compile_context>
chip_gen: v7x
topology: tpu7x:2x2x1
jax: 0.10.2.dev20260603
libtpu: 0.0.44.dev20260713+nightly
codegen_flags: <defaults>
</compile_context>

<pallas_src>
import functools

import jax
import jax.numpy as jnp
from jax import lax
from jax.experimental import pallas as pl
from jax.experimental.pallas import tpu as pltpu
from jax.experimental.pallas import tpu_sc as plsc

NUM_HARD = 2
MARGIN = (0.3, 0.7)
ALPHA = 0.25
GAMMA = 2.0

B = 16
A = 98304
C = 5
N = B * A
K = NUM_HARD * B
ROWS = N * C // 640
RB = 512
GRID = ROWS // RB

NEG_INF = float("-inf")


def _stage_a_body(out_ref, lab_ref, sums_ref, negval_ref, lab0_ref):
    i = pl.program_id(0)
    o = out_ref[...]
    l = lab_ref[...]

    lane = lax.broadcasted_iota(jnp.int32, (RB, 640), 1)
    ch0 = (lane % 5) == 0

    posf = jnp.where(ch0 & (l > 0.5), 1.0, 0.0)
    d = jnp.abs(o - l)
    h = jnp.where(d < 1.0, 0.5 * d * d, d - 0.5)
    sl1 = [jnp.sum(h * pltpu.roll(posf, j, 1)) for j in (1, 2, 3, 4)]

    p_i = lax.broadcasted_iota(jnp.int32, (640, 128), 0)
    g_i = lax.broadcasted_iota(jnp.int32, (640, 128), 1)
    S = jnp.where(p_i == 5 * g_i, 1.0, 0.0).astype(jnp.float32)
    outc = jnp.dot(jnp.where(ch0, o, 0.0), S, preferred_element_type=jnp.float32,
                   precision=lax.Precision.HIGHEST)
    labc = jnp.dot(jnp.where(ch0, l, 0.0), S, preferred_element_type=jnp.float32,
                   precision=lax.Precision.HIGHEST)

    pos = labc > 0.5
    neg = labc < -0.5
    probs = jax.nn.sigmoid(outc)
    lp = jnp.maximum(jnp.log(probs), -100.0)
    lq = jnp.maximum(jnp.log(1.0 - probs), -100.0)
    alpha = jnp.where(labc == 1, ALPHA, 1.0 - ALPHA)
    pt = jnp.where(labc == 1, probs, 1.0 - probs)
    ce = -(labc * lp + (1.0 - labc) * lq)
    omp = 1.0 - pt
    focal_pos_p = jnp.sum(jnp.where(pos, alpha * omp * omp * ce, 0.0))

    n_pos_p = jnp.sum(jnp.where(pos, 1.0, 0.0))
    n_neg_p = jnp.sum(jnp.where(neg, 1.0, 0.0))
    pos_true_p = jnp.sum(jnp.where(pos & (probs >= 0.5), 1.0, 0.0))
    pos_margin_p = jnp.sum(jnp.where(pos & (probs > MARGIN[0]) & (probs < 0.5), 1.0, 0.0))

    negval_ref[...] = jnp.where(neg, outc, NEG_INF)
    lab0_ref[...] = labc

    si = lax.broadcasted_iota(jnp.int32, (8, 128), 0)
    li = lax.broadcasted_iota(jnp.int32, (8, 128), 1)
    vals = (n_pos_p, n_neg_p, sl1[0], sl1[1], sl1[2], sl1[3],
            focal_pos_p, pos_true_p, pos_margin_p)
    vec = jnp.zeros((8, 128), jnp.float32)
    for c, v in enumerate(vals):
        vec = vec + jnp.where((si == 0) & (li == c), v, 0.0)

    @pl.when(i == 0)
    def _():
        sums_ref[...] = vec

    @pl.when(i > 0)
    def _():
        sums_ref[...] += vec


def _stage_a(out2, lab2):
    return pl.pallas_call(
        _stage_a_body,
        grid=(GRID,),
        in_specs=[
            pl.BlockSpec((RB, 640), lambda i: (i, 0)),
            pl.BlockSpec((RB, 640), lambda i: (i, 0)),
        ],
        out_specs=[
            pl.BlockSpec((8, 128), lambda i: (0, 0)),
            pl.BlockSpec((RB, 128), lambda i: (i, 0)),
            pl.BlockSpec((RB, 128), lambda i: (i, 0)),
        ],
        out_shape=[
            jax.ShapeDtypeStruct((8, 128), jnp.float32),
            jax.ShapeDtypeStruct((ROWS, 128), jnp.float32),
            jax.ShapeDtypeStruct((ROWS, 128), jnp.float32),
        ],
    )(out2, lab2)


def _merge16(hi_v, hi_l, lo_v, lo_l):
    c = hi_v >= lo_v
    top_v = jnp.where(c, hi_v, lo_v)
    top_l = jnp.where(c, hi_l, lo_l)
    bot_v = jnp.where(c, lo_v, hi_v)
    bot_l = jnp.where(c, lo_l, hi_l)
    return top_v, top_l, bot_v, bot_l


def _stage_b_make(nw):
    per_w = N // nw
    n_vecs = per_w // 16
    mesh = plsc.VectorSubcoreMesh(core_axis_name="c", subcore_axis_name="s")

    @functools.partial(
        pl.kernel,
        mesh=mesh,
        compiler_params=pltpu.CompilerParams(needs_layout_passes=False),
        out_type=jax.ShapeDtypeStruct((nw, 64), jnp.float32),
        scratch_types=[
            pltpu.VMEM((per_w,), jnp.float32),
            pltpu.VMEM((per_w,), jnp.float32),
            pltpu.VMEM((64,), jnp.float32),
        ],
    )
    def bkern(negval_hbm, lab_hbm, out_hbm, vbuf, lbuf, obuf):
        nc = plsc.get_sparse_core_info().num_cores
        wid = lax.axis_index("s") * nc + lax.axis_index("c")
        base = wid * per_w
        pltpu.sync_copy(negval_hbm.at[pl.ds(base, per_w)], vbuf)
        pltpu.sync_copy(lab_hbm.at[pl.ds(base, per_w)], lbuf)

        ninf16 = jnp.full((16,), NEG_INF, jnp.float32)
        zero16 = jnp.zeros((16,), jnp.float32)

        def body(i, carry):
            v_hi, l_hi, v_lo, l_lo, thr = carry
            x = vbuf[pl.ds(i * 16, 16)]
            xl = lbuf[pl.ds(i * 16, 16)]
            xs, xls = plsc.sort_key_val(x, xl, descending=True)

            def do_merge(c):
                v_hi, l_hi, v_lo, l_lo, _ = c
                rx = lax.rev(xs, (0,))
                rxl = lax.rev(xls, (0,))
                h1, h1l, _, _ = _merge16(v_lo, l_lo, rx, rxl)
                h1s, h1ls = plsc.sort_key_val(h1, h1l, descending=True)
                rh = lax.rev(h1s, (0,))
                rhl = lax.rev(h1ls, (0,))
                nh, nhl, nl, nll = _merge16(v_hi, l_hi, rh, rhl)
                nhs, nhls = plsc.sort_key_val(nh, nhl, descending=True)
                nls, nlls = plsc.sort_key_val(nl, nll, descending=True)
                return (nhs, nhls, nls, nlls, nls[15])

            def skip(c):
                return c

            return lax.cond(xs[0] > thr, do_merge, skip,
                            (v_hi, l_hi, v_lo, l_lo, thr))

        v_hi, l_hi, v_lo, l_lo, _ = lax.fori_loop(
            0, n_vecs, body,
            (ninf16, zero16, ninf16, zero16, jnp.float32(NEG_INF)))

        obuf[pl.ds(0, 16)] = v_hi
        obuf[pl.ds(16, 16)] = v_lo
        obuf[pl.ds(32, 16)] = l_hi
        obuf[pl.ds(48, 16)] = l_lo
        pltpu.sync_copy(obuf, out_hbm.at[wid])

    return bkern


def _stage_c_body(sums_ref, vals_ref, labs_ref, res_ref):
    S = sums_ref[...]
    si = lax.broadcasted_iota(jnp.int32, (8, 128), 0)
    li = lax.broadcasted_iota(jnp.int32, (8, 128), 1)

    def pick(c):
        return jnp.sum(jnp.where((si == 0) & (li == c), S, 0.0))

    n_pos = pick(0)
    n_neg = pick(1)
    sl1 = [pick(2), pick(3), pick(4), pick(5)]
    focal_pos_sum = pick(6)
    pos_true = pick(7)
    pos_margin = pick(8)

    vals = vals_ref[...]
    labs = labs_ref[...]
    lin = (lax.broadcasted_iota(jnp.int32, (32, 32), 0) * 32
           + lax.broadcasted_iota(jnp.int32, (32, 32), 1))
    lane = lax.broadcasted_iota(jnp.int32, (8, 128), 1)

    def body(t, carry):
        alive, selv, sell = carry
        masked = jnp.where(alive > 0.0, vals, NEG_INF)
        m = jnp.max(masked)
        cidx = jnp.min(jnp.where(masked == m, lin, jnp.int32(2 ** 30)))
        lab_sel = jnp.sum(jnp.where(lin == cidx, labs, 0.0))
        alive = jnp.where(lin == cidx, 0.0, alive)
        selv = jnp.where(lane == t, m, selv)
        sell = jnp.where(lane == t, lab_sel, sell)
        return alive, selv, sell

    alive0 = jnp.ones((32, 32), jnp.float32)
    selv0 = jnp.full((8, 128), NEG_INF, jnp.float32)
    sell0 = jnp.zeros((8, 128), jnp.float32)
    _, selv, sell = lax.fori_loop(0, K, body, (alive0, selv0, sell0))

    k_count = jnp.minimum(jnp.float32(K), n_neg)
    valid = (lane.astype(jnp.float32) < k_count) & (lane < K) & (si == 0)
    prob = jax.nn.sigmoid(selv)
    labp1 = sell + 1.0
    alpha = jnp.where(labp1 == 1, ALPHA, 1.0 - ALPHA)
    pt = jnp.where(labp1 == 1, prob, 1.0 - prob)
    lp = jnp.maximum(jnp.log(prob), -100.0)
    lq = jnp.maximum(jnp.log(1.0 - prob), -100.0)
    ce = -(labp1 * lp + (1.0 - labp1) * lq)
    omp = 1.0 - pt
    terms = alpha * omp * omp * ce
    focal_neg = jnp.sum(jnp.where(valid, terms, 0.0)) / k_count
    focal_pos = focal_pos_sum / n_pos
    classify = jnp.where(n_pos > 0, 0.5 * focal_pos + 0.5 * focal_neg,
                         0.5 * focal_neg)
    rl = [jnp.where(n_pos > 0, s / n_pos, 0.0) for s in sl1]
    loss = classify + rl[0] + rl[1] + rl[2] + rl[3]
    neg_false = jnp.sum(jnp.where(valid & (prob < 0.5), 1.0, 0.0))
    neg_margin = jnp.sum(jnp.where(valid & (prob > 0.5) & (prob < MARGIN[1]),
                                   1.0, 0.0))

    outs = (loss, classify, rl[0], rl[1], rl[2], rl[3], pos_true, n_pos,
            neg_false, k_count, pos_margin, neg_margin)
    vec = jnp.zeros((8, 128), jnp.float32)
    for c, v in enumerate(outs):
        vec = vec + jnp.where((si == 0) & (li == c), v, 0.0)
    res_ref[...] = vec


def _stage_c(sums, cvals, clabs):
    return pl.pallas_call(
        _stage_c_body,
        out_shape=jax.ShapeDtypeStruct((8, 128), jnp.float32),
    )(sums, cvals, clabs)


def kernel(output, labels):
    out2 = output.reshape(ROWS, 640)
    lab2 = labels.reshape(ROWS, 640)
    sums, negval, lab0 = _stage_a(out2, lab2)

    info = plsc.get_sparse_core_info()
    nw = info.num_cores * info.num_subcores
    cands = _stage_b_make(nw)(negval.reshape(N), lab0.reshape(N))
    cvals = cands[:, 0:32].reshape(32, 32)
    clabs = cands[:, 32:64].reshape(32, 32)

    r = _stage_c(sums, cvals, clabs)
    i32 = jnp.int32
    return (r[0, 0], r[0, 1], r[0, 2], r[0, 3], r[0, 4], r[0, 5],
            r[0, 6].astype(i32), r[0, 7].astype(i32), r[0, 8].astype(i32),
            r[0, 9].astype(i32), jnp.asarray(N, dtype=i32),
            r[0, 10].astype(i32), r[0, 11].astype(i32))

# --- scband reference (transcript-rebuilt; emitter-appended) ---
"""Pipeline reference for scband-loss-38079180046885 (READ-ONLY COPY).

The authoritative reference and input builder live on the scoring server;
editing this copy changes nothing except your own understanding.
"""

import jax, jax.numpy as jnp
import numpy as np

NUM_HARD = 2
MARGIN = (0.3, 0.7)
ALPHA = 0.25
GAMMA = 2.0


def _focal(probs, label):
    alpha = jnp.where(label == 1, ALPHA, 1.0 - ALPHA)
    pt = jnp.where(label == 1, probs, 1.0 - probs)
    ce = -(label * jnp.maximum(jnp.log(probs), -100.0) + (1.0 - label) * jnp.maximum(jnp.log(1.0 - probs), -100.0))
    return jnp.mean(alpha * jnp.power(1.0 - pt, GAMMA) * ce)


def _smooth_l1(pred, target):
    d = jnp.abs(pred - target)
    return jnp.mean(jnp.where(d < 1.0, 0.5 * d * d, d - 0.5))


def _focal_masked(probs, label, mask, count):
    alpha = jnp.where(label == 1, ALPHA, 1.0 - ALPHA)
    pt = jnp.where(label == 1, probs, 1.0 - probs)
    ce = -(label * jnp.maximum(jnp.log(probs), -100.0) + (1.0 - label) * jnp.maximum(jnp.log(1.0 - probs), -100.0))
    terms = alpha * jnp.power(1.0 - pt, GAMMA) * ce
    return jnp.sum(jnp.where(mask, terms, 0.0)) / count


def _smooth_l1_masked(pred, target, mask, count):
    d = jnp.abs(pred - target)
    h = jnp.where(d < 1.0, 0.5 * d * d, d - 0.5)
    return jnp.sum(jnp.where(mask, h, 0.0)) / count


def setup_inputs(seed: int = 0) -> dict:
    key = jax.random.key(seed)
    k1, k2 = jax.random.split(key)
    output = jax.random.normal(k1, (16, 98304, 5), dtype=jnp.float32)
    labels = jax.random.normal(k2, (16, 98304, 5), dtype=jnp.float32)
    return {"output": output, "labels": labels}


def reference(output, labels):
    batch_size = labels.shape[0]
    out = output.reshape(-1, 5).astype(jnp.float32)
    lab = labels.reshape(-1, 5).astype(jnp.float32)
    lab0 = lab[:, 0]
    pos_mask = lab0 > 0.5
    neg_mask = lab0 < -0.5
    n_pos = jnp.sum(pos_mask)
    n_neg = jnp.sum(neg_mask)
    k_max = NUM_HARD * batch_size
    masked_neg = jnp.where(neg_mask, out[:, 0], -jnp.inf)
    neg_output, tidx = jax.lax.top_k(masked_neg, k_max)
    k_count = jnp.minimum(jnp.int32(k_max), n_neg)
    valid = jnp.arange(k_max, dtype=jnp.int32) < k_count
    neg_labels = jnp.take(lab0, tidx)
    neg_prob = jax.nn.sigmoid(neg_output)
    n_pos_f = n_pos.astype(jnp.float32)
    pos_prob = jax.nn.sigmoid(out[:, 0])
    rl_raw = [_smooth_l1_masked(out[:, i], lab[:, i], pos_mask, n_pos_f) for i in (1, 2, 3, 4)]
    rl = [jnp.where(n_pos > 0, r, jnp.float32(0.0)) for r in rl_raw]
    focal_pos = _focal_masked(pos_prob, lab0, pos_mask, n_pos_f)
    focal_neg = _focal_masked(neg_prob, neg_labels + 1.0, valid, k_count.astype(jnp.float32))
    classify_loss = jnp.where(n_pos > 0, 0.5 * focal_pos + 0.5 * focal_neg, 0.5 * focal_neg)
    pos_true = jnp.sum((pos_prob >= 0.5) & pos_mask)
    pos_margin = jnp.sum((pos_prob > MARGIN[0]) & (pos_prob < 0.5) & pos_mask)
    pos_total = n_pos
    loss = classify_loss + rl[0] + rl[1] + rl[2] + rl[3]
    neg_false = jnp.sum((neg_prob < 0.5) & valid)
    neg_margin = jnp.sum((neg_prob > 0.5) & (neg_prob < MARGIN[1]) & valid)
    return (loss, classify_loss, rl[0], rl[1], rl[2], rl[3], pos_true, jnp.asarray(pos_total), neg_false, jnp.asarray(k_count), jnp.asarray(int(lab.shape[0])), pos_margin, neg_margin)

if __name__ == "__main__":
    import jax
    _d = setup_inputs()
    print(jax.jit(kernel)(*tuple(_d.values())))

</pallas_src>

<mosaic_0001>
#map = affine_map<(d0, d1) -> (0)>
#map1 = affine_map<(d0, d1) -> (0, 0)>
module attributes {stable_mosaic.version = 14 : i64} {
  func.func @bkern(%arg0: i32, %arg1: i32, %arg2: memref<1572864xf32, #tpu.memory_space<hbm>>, %arg3: memref<1572864xf32, #tpu.memory_space<hbm>>, %arg4: memref<32x64xf32, #tpu.memory_space<hbm>>, %arg5: memref<49152xf32, #tpu.memory_space<vmem>>, %arg6: memref<49152xf32, #tpu.memory_space<vmem>>, %arg7: memref<64xf32, #tpu.memory_space<vmem>>) attributes {dimension_semantics = [#tpu.dimension_semantics<core_parallel>, #tpu.dimension_semantics<subcore_parallel>], iteration_bounds = array<i64: 2, 16>, scalar_prefetch = 0 : i64, scratch_operands = 3 : i64, tpu.core_type = #tpu.core_type<sc_vector_subcore>, window_params = [{transform_indices = #map}, {transform_indices = #map}, {transform_indices = #map1}]} {
    %mul3A = arith.constant 2 : i32
    %mul3A_0 = arith.muli %arg1, %mul3A : i32
    %add3A = arith.addi %mul3A_0, %arg0 : i32
    %mul3A_1 = arith.constant 49152 : i32
    %mul3A_2 = arith.muli %add3A, %mul3A_1 : i32
    "tpu.region"() ({
      %run_scoped3A = tpu.sem_alloc : memref<!tpu.dma_semaphore, #tpu.memory_space<semaphore_mem>>
      %dma_start3A = tpu.memref_slice %arg2[%mul3A_2] : memref<1572864xf32, #tpu.memory_space<hbm>> -> memref<49152xf32, #tpu.memory_space<hbm>>
      %dma_start3A_19 = tpu.memref_slice %arg2[%mul3A_2] : memref<1572864xf32, #tpu.memory_space<hbm>> -> memref<49152xf32, #tpu.memory_space<hbm>>
      tpu.enqueue_dma source(%dma_start3A_19 : memref<49152xf32, #tpu.memory_space<hbm>>) target(%arg5 : memref<49152xf32, #tpu.memory_space<vmem>>) target_semaphore(%run_scoped3A : memref<!tpu.dma_semaphore, #tpu.memory_space<semaphore_mem>>)
      %dma_wait3A = tpu.memref_slice %arg2[%mul3A_2] : memref<1572864xf32, #tpu.memory_space<hbm>> -> memref<49152xf32, #tpu.memory_space<hbm>>
      %dma_wait3A_20 = tpu.memref_slice %arg2[%mul3A_2] : memref<1572864xf32, #tpu.memory_space<hbm>> -> memref<49152xf32, #tpu.memory_space<hbm>>
      tpu.wait_dma2 semaphore(%run_scoped3A : memref<!tpu.dma_semaphore, #tpu.memory_space<semaphore_mem>>) src(%dma_wait3A_20 : memref<49152xf32, #tpu.memory_space<hbm>>) dst(%arg5 : memref<49152xf32, #tpu.memory_space<vmem>>)
      tpu.yield
    }) : () -> ()
    "tpu.region"() ({
      %run_scoped3A = tpu.sem_alloc : memref<!tpu.dma_semaphore, #tpu.memory_space<semaphore_mem>>
      %dma_start3A = tpu.memref_slice %arg3[%mul3A_2] : memref<1572864xf32, #tpu.memory_space<hbm>> -> memref<49152xf32, #tpu.memory_space<hbm>>
      %dma_start3A_19 = tpu.memref_slice %arg3[%mul3A_2] : memref<1572864xf32, #tpu.memory_space<hbm>> -> memref<49152xf32, #tpu.memory_space<hbm>>
      tpu.enqueue_dma source(%dma_start3A_19 : memref<49152xf32, #tpu.memory_space<hbm>>) target(%arg6 : memref<49152xf32, #tpu.memory_space<vmem>>) target_semaphore(%run_scoped3A : memref<!tpu.dma_semaphore, #tpu.memory_space<semaphore_mem>>)
      %dma_wait3A = tpu.memref_slice %arg3[%mul3A_2] : memref<1572864xf32, #tpu.memory_space<hbm>> -> memref<49152xf32, #tpu.memory_space<hbm>>
      %dma_wait3A_20 = tpu.memref_slice %arg3[%mul3A_2] : memref<1572864xf32, #tpu.memory_space<hbm>> -> memref<49152xf32, #tpu.memory_space<hbm>>
      tpu.wait_dma2 semaphore(%run_scoped3A : memref<!tpu.dma_semaphore, #tpu.memory_space<semaphore_mem>>) src(%dma_wait3A_20 : memref<49152xf32, #tpu.memory_space<hbm>>) dst(%arg6 : memref<49152xf32, #tpu.memory_space<vmem>>)
      tpu.yield
    }) : () -> ()
    %broadcast_in_dim3A = arith.constant 0xFF800000 : f32
    %broadcast_in_dim3A_3 = vector.broadcast %broadcast_in_dim3A : f32 to vector<16xf32>
    %broadcast_in_dim3A_4 = arith.constant 0.000000e+00 : f32
    %broadcast_in_dim3A_5 = vector.broadcast %broadcast_in_dim3A_4 : f32 to vector<16xf32>
    %scan3A = arith.constant 0xFF800000 : f32
    %scan3A_6 = arith.constant 0 : i32
    %scan3A_7 = arith.constant 3072 : i32
    %scan3A_8 = arith.addi %scan3A_6, %scan3A_7 : i32
    %scan3A_9 = arith.constant 1 : i32
    %scan3A_10:5 = scf.for %scan3A_19 = %scan3A_6 to %scan3A_8 step %scan3A_9 iter_args(%scan3A_20 = %broadcast_in_dim3A_3, %scan3A_21 = %broadcast_in_dim3A_5, %scan3A_22 = %broadcast_in_dim3A_3, %scan3A_23 = %broadcast_in_dim3A_5, %scan3A_24 = %scan3A) -> (vector<16xf32>, vector<16xf32>, vector<16xf32>, vector<16xf32>, f32)  : i32 {
      %mul3A_25 = arith.constant 16 : i32
      %mul3A_26 = arith.muli %scan3A_19, %mul3A_25 : i32
      %get3A = arith.index_cast %mul3A_26 : i32 to index
      %get3A_27 = tpu.vector_load %arg5[%get3A] {strides = array<i32>} : memref<49152xf32, #tpu.memory_space<vmem>>, vector<16xf32>,
      %mul3A_28 = arith.constant 16 : i32
      %mul3A_29 = arith.muli %scan3A_19, %mul3A_28 : i32
      %get3A_30 = arith.index_cast %mul3A_29 : i32 to index
      %get3A_31 = tpu.vector_load %arg6[%get3A_30] {strides = array<i32>} : memref<49152xf32, #tpu.memory_space<vmem>>, vector<16xf32>,
      %masked_sort3A = arith.constant dense<true> : vector<16xi1>
      %masked_sort3A_32, %masked_sort3A_33, %masked_sort3A_34 = tpu.sort %get3A_27, %get3A_31 masked %masked_sort3A {descending = true} : (vector<16xf32>, vector<16xf32>, vector<16xi1>) -> (vector<16xi1>, vector<16xf32>, vector<16xf32>)
      %slice3A = vector.extract_strided_slice %masked_sort3A_33 {offsets = [0], sizes = [1], strides = [1]} : vector<16xf32> to vector<1xf32>
      %squeeze3A = vector.extract %slice3A[0] : f32 from vector<1xf32>
      %gt3A = arith.cmpf ogt, %squeeze3A, %scan3A_24 : f32
      %convert_element_type3A = arith.extui %gt3A : i1 to i32
      %cond3A = arith.constant 0 : i32
      %cond3A_35 = arith.cmpi ne, %convert_element_type3A, %cond3A : i32
      %cond3A_36:5 = scf.if %cond3A_35 -> (vector<16xf32>, vector<16xf32>, vector<16xf32>, vector<16xf32>, f32) {
        %rev3A = arith.constant 15 : i32
        %rev3A_37 = vector.broadcast %rev3A : i32 to vector<16xi32>
        %rev3A_38 = tpu.iota {dimensions = array<i32: 0>} : vector<16xi32>
        %rev3A_39 = arith.subi %rev3A_37, %rev3A_38 : vector<16xi32>
        %rev3A_40 = tpu.dynamic_gather %masked_sort3A_33[%rev3A_39] in [0] : vector<16xf32>, vector<16xi32> -> vector<16xf32>
        %rev3A_41 = arith.constant 15 : i32
        %rev3A_42 = vector.broadcast %rev3A_41 : i32 to vector<16xi32>
        %rev3A_43 = tpu.iota {dimensions = array<i32: 0>} : vector<16xi32>
        %rev3A_44 = arith.subi %rev3A_42, %rev3A_43 : vector<16xi32>
        %rev3A_45 = tpu.dynamic_gather %masked_sort3A_34[%rev3A_44] in [0] : vector<16xf32>, vector<16xi32> -> vector<16xf32>
        %ge3A = arith.cmpf oge, %scan3A_22, %rev3A_40 : vector<16xf32>
        %select_n3A = arith.select %ge3A, %scan3A_22, %rev3A_40 : vector<16xi1>, vector<16xf32>
        %select_n3A_46 = arith.select %ge3A, %scan3A_23, %rev3A_45 : vector<16xi1>, vector<16xf32>
        %select_n3A_47 = arith.select %ge3A, %rev3A_40, %scan3A_22 : vector<16xi1>, vector<16xf32>
        %select_n3A_48 = arith.select %ge3A, %rev3A_45, %scan3A_23 : vector<16xi1>, vector<16xf32>
        %masked_sort3A_49 = arith.constant dense<true> : vector<16xi1>
        %masked_sort3A_50, %masked_sort3A_51, %masked_sort3A_52 = tpu.sort %select_n3A, %select_n3A_46 masked %masked_sort3A_49 {descending = true} : (vector<16xf32>, vector<16xf32>, vector<16xi1>) -> (vector<16xi1>, vector<16xf32>, vector<16xf32>)
        %rev3A_53 = arith.constant 15 : i32
        %rev3A_54 = vector.broadcast %rev3A_53 : i32 to vector<16xi32>
        %rev3A_55 = tpu.iota {dimensions = array<i32: 0>} : vector<16xi32>
        %rev3A_56 = arith.subi %rev3A_54, %rev3A_55 : vector<16xi32>
        %rev3A_57 = tpu.dynamic_gather %masked_sort3A_51[%rev3A_56] in [0] : vector<16xf32>, vector<16xi32> -> vector<16xf32>
        %rev3A_58 = arith.constant 15 : i32
        %rev3A_59 = vector.broadcast %rev3A_58 : i32 to vector<16xi32>
        %rev3A_60 = tpu.iota {dimensions = array<i32: 0>} : vector<16xi32>
        %rev3A_61 = arith.subi %rev3A_59, %rev3A_60 : vector<16xi32>
        %rev3A_62 = tpu.dynamic_gather %masked_sort3A_52[%rev3A_61] in [0] : vector<16xf32>, vector<16xi32> -> vector<16xf32>
        %ge3A_63 = arith.cmpf oge, %scan3A_20, %rev3A_57 : vector<16xf32>
        %select_n3A_64 = arith.select %ge3A_63, %scan3A_20, %rev3A_57 : vector<16xi1>, vector<16xf32>
        %select_n3A_65 = arith.select %ge3A_63, %scan3A_21, %rev3A_62 : vector<16xi1>, vector<16xf32>
        %select_n3A_66 = arith.select %ge3A_63, %rev3A_57, %scan3A_20 : vector<16xi1>, vector<16xf32>
        %select_n3A_67 = arith.select %ge3A_63, %rev3A_62, %scan3A_21 : vector<16xi1>, vector<16xf32>
        %masked_sort3A_68 = arith.constant dense<true> : vector<16xi1>
        %masked_sort3A_69, %masked_sort3A_70, %masked_sort3A_71 = tpu.sort %select_n3A_64, %select_n3A_65 masked %masked_sort3A_68 {descending = true} : (vector<16xf32>, vector<16xf32>, vector<16xi1>) -> (vector<16xi1>, vector<16xf32>, vector<16xf32>)
        %masked_sort3A_72 = arith.constant dense<true> : vector<16xi1>
        %masked_sort3A_73, %masked_sort3A_74, %masked_sort3A_75 = tpu.sort %select_n3A_66, %select_n3A_67 masked %masked_sort3A_72 {descending = true} : (vector<16xf32>, vector<16xf32>, vector<16xi1>) -> (vector<16xi1>, vector<16xf32>, vector<16xf32>)
        %slice3A_76 = vector.extract_strided_slice %masked_sort3A_74 {offsets = [15], sizes = [1], strides = [1]} : vector<16xf32> to vector<1xf32>
        %squeeze3A_77 = vector.extract %slice3A_76[0] : f32 from vector<1xf32>
        scf.yield %masked_sort3A_70, %masked_sort3A_71, %masked_sort3A_74, %masked_sort3A_75, %squeeze3A_77 : vector<16xf32>, vector<16xf32>, vector<16xf32>, vector<16xf32>, f32
      } else {
        scf.yield %scan3A_20, %scan3A_21, %scan3A_22, %scan3A_23, %scan3A_24 : vector<16xf32>, vector<16xf32>, vector<16xf32>, vector<16xf32>, f32
      }
      scf.yield %cond3A_36#0, %cond3A_36#1, %cond3A_36#2, %cond3A_36#3, %cond3A_36#4 : vector<16xf32>, vector<16xf32>, vector<16xf32>, vector<16xf32>, f32
    }
    %scan3A_11 = arith.constant 3072 : i32
    %swap3A = arith.constant 0 : index
    %swap3A_12 = tpu.vector_load %arg7[%swap3A] {strides = array<i32>} : memref<64xf32, #tpu.memory_space<vmem>>, vector<16xf32>,
    tpu.vector_store %arg7[%swap3A], %scan3A_10#0 {strides = array<i32>} : memref<64xf32, #tpu.memory_space<vmem>>, vector<16xf32>,
    %swap3A_13 = arith.constant 16 : index
    %swap3A_14 = tpu.vector_load %arg7[%swap3A_13] {strides = array<i32>} : memref<64xf32, #tpu.memory_space<vmem>>, vector<16xf32>,
    tpu.vector_store %arg7[%swap3A_13], %scan3A_10#2 {strides = array<i32>} : memref<64xf32, #tpu.memory_space<vmem>>, vector<16xf32>,
    %swap3A_15 = arith.constant 32 : index
    %swap3A_16 = tpu.vector_load %arg7[%swap3A_15] {strides = array<i32>} : memref<64xf32, #tpu.memory_space<vmem>>, vector<16xf32>,
    tpu.vector_store %arg7[%swap3A_15], %scan3A_10#1 {strides = array<i32>} : memref<64xf32, #tpu.memory_space<vmem>>, vector<16xf32>,
    %swap3A_17 = arith.constant 48 : index
    %swap3A_18 = tpu.vector_load %arg7[%swap3A_17] {strides = array<i32>} : memref<64xf32, #tpu.memory_space<vmem>>, vector<16xf32>,
    tpu.vector_store %arg7[%swap3A_17], %scan3A_10#3 {strides = array<i32>} : memref<64xf32, #tpu.memory_space<vmem>>, vector<16xf32>,
    "tpu.region"() ({
      %run_scoped3A = tpu.sem_alloc : memref<!tpu.dma_semaphore, #tpu.memory_space<semaphore_mem>>
      %dma_start3A = arith.constant 0 : i32
      %dma_start3A_19 = tpu.memref_slice %arg4[%add3A, %dma_start3A] : memref<32x64xf32, #tpu.memory_space<hbm>> -> memref<1x64xf32, #tpu.memory_space<hbm>>
      %dma_start3A_20 = tpu.memref_squeeze %dma_start3A_19 : memref<1x64xf32, #tpu.memory_space<hbm>> -> memref<64xf32, #tpu.memory_space<hbm>>
      %dma_start3A_21 = arith.constant 0 : i32
      %dma_start3A_22 = tpu.memref_slice %arg4[%add3A, %dma_start3A_21] : memref<32x64xf32, #tpu.memory_space<hbm>> -> memref<1x64xf32, #tpu.memory_space<hbm>>
      %dma_start3A_23 = tpu.memref_squeeze %dma_start3A_22 : memref<1x64xf32, #tpu.memory_space<hbm>> -> memref<64xf32, #tpu.memory_space<hbm>>
      tpu.enqueue_dma source(%arg7 : memref<64xf32, #tpu.memory_space<vmem>>) target(%dma_start3A_23 : memref<64xf32, #tpu.memory_space<hbm>>) target_semaphore(%run_scoped3A : memref<!tpu.dma_semaphore, #tpu.memory_space<semaphore_mem>>)
      %dma_wait3A = arith.constant 0 : i32
      %dma_wait3A_24 = tpu.memref_slice %arg4[%add3A, %dma_wait3A] : memref<32x64xf32, #tpu.memory_space<hbm>> -> memref<1x64xf32, #tpu.memory_space<hbm>>
      %dma_wait3A_25 = tpu.memref_squeeze %dma_wait3A_24 : memref<1x64xf32, #tpu.memory_space<hbm>> -> memref<64xf32, #tpu.memory_space<hbm>>
      %dma_wait3A_26 = arith.constant 0 : i32
      %dma_wait3A_27 = tpu.memref_slice %arg4[%add3A, %dma_wait3A_26] : memref<32x64xf32, #tpu.memory_space<hbm>> -> memref<1x64xf32, #tpu.memory_space<hbm>>
      %dma_wait3A_28 = tpu.memref_squeeze %dma_wait3A_27 : memref<1x64xf32, #tpu.memory_space<hbm>> -> memref<64xf32, #tpu.memory_space<hbm>>
      tpu.wait_dma2 semaphore(%run_scoped3A : memref<!tpu.dma_semaphore, #tpu.memory_space<semaphore_mem>>) src(%arg7 : memref<64xf32, #tpu.memory_space<vmem>>) dst(%dma_wait3A_28 : memref<64xf32, #tpu.memory_space<hbm>>)
      tpu.yield
    }) : () -> ()
    return
  }
}

module attributes {stable_mosaic.version = 14 : i64} {
  func.func @_stage_a_body(%arg0: i32, %arg1: memref<512x640xf32, #tpu.memory_space<vmem>>, %arg2: memref<512x640xf32, #tpu.memory_space<vmem>>, %arg3: memref<8x128xf32, #tpu.memory_space<vmem>>, %arg4: memref<512x128xf32, #tpu.memory_space<vmem>>, %arg5: memref<512x128xf32, #tpu.memory_space<vmem>>) attributes {dimension_semantics = [#tpu.dimension_semantics<arbitrary>], iteration_bounds = array<i64: 24>, scalar_prefetch = 0 : i64, scratch_operands = 0 : i64, tpu.core_type = #tpu.core_type<tc>, window_params = [{transform_indices = @transform_0, window_bounds = array<i64: 512, 640>}, {transform_indices = @transform_1, window_bounds = array<i64: 512, 640>}, {pipeline_mode = #tpu.pipeline_mode<synchronous>, transform_indices = @transform_2, window_bounds = array<i64: 8, 128>}, {transform_indices = @transform_3, window_bounds = array<i64: 512, 128>}, {transform_indices = @transform_4, window_bounds = array<i64: 512, 128>}]} {
    %get3A = arith.constant 0 : index
    %get3A_0 = arith.constant 0 : index
    %get3A_1 = vector.load %arg1[%get3A, %get3A_0] : memref<512x640xf32, #tpu.memory_space<vmem>>, vector<512x640xf32>
    %get3A_2 = arith.constant 0 : index
    %get3A_3 = arith.constant 0 : index
    %get3A_4 = vector.load %arg2[%get3A_2, %get3A_3] : memref<512x640xf32, #tpu.memory_space<vmem>>, vector<512x640xf32>
    %iota3A = tpu.iota {dimensions = array<i32: 1>} : vector<512x640xi32>
    %jit3A = arith.constant 5 : i32
    %eq3A = arith.constant 0 : i32
    %eq3A_5 = arith.cmpi eq, %jit3A, %eq3A : i32
    %jit3A_6 = arith.constant 1 : i32
    %select_n3A = arith.select %eq3A_5, %jit3A_6, %jit3A : i32
    %rem3A = vector.broadcast %select_n3A : i32 to vector<512x640xi32>
    %rem3A_7 = arith.remsi %iota3A, %rem3A : vector<512x640xi32>
    %ne3A = arith.constant 0 : i32
    %ne3A_8 = vector.broadcast %ne3A : i32 to vector<512x640xi32>
    %ne3A_9 = arith.cmpi ne, %rem3A_7, %ne3A_8 : vector<512x640xi32>
    %lt3A = arith.constant 0 : i32
    %lt3A_10 = vector.broadcast %lt3A : i32 to vector<512x640xi32>
    %lt3A_11 = arith.cmpi slt, %rem3A_7, %lt3A_10 : vector<512x640xi32>
    %lt3A_12 = arith.constant 0 : i32
    %lt3A_13 = arith.cmpi slt, %select_n3A, %lt3A_12 : i32
    %ne3A_14 = vector.broadcast %lt3A_13 : i1 to vector<512x640xi1>
    %ne3A_15 = vector.broadcast %ne3A_14 : vector<512x640xi1> to vector<512x640xi1>
    %ne3A_16 = arith.xori %lt3A_11, %ne3A_15 : vector<512x640xi1>
    %and3A = arith.andi %ne3A_16, %ne3A_9 : vector<512x640xi1>
    %add3A = vector.broadcast %select_n3A : i32 to vector<512x640xi32>
    %add3A_17 = arith.addi %rem3A_7, %add3A : vector<512x640xi32>
    %select_n3A_18 = arith.select %and3A, %add3A_17, %rem3A_7 : vector<512x640xi1>, vector<512x640xi32>
    %eq3A_19 = arith.constant 0 : i32
    %eq3A_20 = vector.broadcast %eq3A_19 : i32 to vector<512x640xi32>
    %eq3A_21 = arith.cmpi eq, %select_n3A_18, %eq3A_20 : vector<512x640xi32>
    %gt3A = arith.constant 5.000000e-01 : f32
    %gt3A_22 = vector.broadcast %gt3A : f32 to vector<512x640xf32>
    %gt3A_23 = arith.cmpf ogt, %get3A_4, %gt3A_22 : vector<512x640xf32>
    %and3A_24 = arith.andi %eq3A_21, %gt3A_23 : vector<512x640xi1>
    %jit3A_25 = arith.constant 1.000000e+00 : f32
    %jit3A_26 = arith.constant 0.000000e+00 : f32
    %broadcast_in_dim3A = vector.broadcast %jit3A_25 : f32 to vector<512x640xf32>
    %broadcast_in_dim3A_27 = vector.broadcast %jit3A_26 : f32 to vector<512x640xf32>
    %select_n3A_28 = arith.select %and3A_24, %broadcast_in_dim3A, %broadcast_in_dim3A_27 : vector<512x640xi1>, vector<512x640xf32>
    %sub3A = arith.subf %get3A_1, %get3A_4 : vector<512x640xf32>
    %abs3A = math.absf %sub3A : vector<512x640xf32>
    %lt3A_29 = arith.constant 1.000000e+00 : f32
    %lt3A_30 = vector.broadcast %lt3A_29 : f32 to vector<512x640xf32>
    %lt3A_31 = arith.cmpf olt, %abs3A, %lt3A_30 : vector<512x640xf32>
    %mul3A = arith.constant 5.000000e-01 : f32
    %mul3A_32 = vector.broadcast %mul3A : f32 to vector<512x640xf32>
    %mul3A_33 = arith.mulf %mul3A_32, %abs3A : vector<512x640xf32>
    %mul3A_34 = arith.mulf %mul3A_33, %abs3A : vector<512x640xf32>
    %sub3A_35 = arith.constant 5.000000e-01 : f32
    %sub3A_36 = vector.broadcast %sub3A_35 : f32 to vector<512x640xf32>
    %sub3A_37 = arith.subf %abs3A, %sub3A_36 : vector<512x640xf32>
    %select_n3A_38 = arith.select %lt3A_31, %mul3A_34, %sub3A_37 : vector<512x640xi1>, vector<512x640xf32>
    %roll3A = arith.constant 1 : i32
    %roll3A_39 = tpu.dynamic_rotate %select_n3A_28 by %roll3A dim 1 : vector<512x640xf32>, i32 -> vector<512x640xf32>
    %mul3A_40 = arith.mulf %select_n3A_38, %roll3A_39 : vector<512x640xf32>
    %reduce_sum3A = vector.shape_cast %mul3A_40 : vector<512x640xf32> to vector<1x512x640xf32>
    %reduce_sum3A_41 = arith.constant dense<0.000000e+00> : vector<1xf32>
    %reduce_sum3A_42 = vector.multi_reduction <add>, %reduce_sum3A, %reduce_sum3A_41 [1, 2] : vector<1x512x640xf32> to vector<1xf32>
    %reduce_sum3A_43 = vector.shape_cast %reduce_sum3A_42 : vector<1xf32> to vector<1x1x1xf32>
    %reduce_sum3A_44 = vector.extract %reduce_sum3A_43[0, 0, 0] : f32 from vector<1x1x1xf32>
    %roll3A_45 = arith.constant 2 : i32
    %roll3A_46 = tpu.dynamic_rotate %select_n3A_28 by %roll3A_45 dim 1 : vector<512x640xf32>, i32 -> vector<512x640xf32>
    %mul3A_47 = arith.mulf %select_n3A_38, %roll3A_46 : vector<512x640xf32>
    %reduce_sum3A_48 = vector.shape_cast %mul3A_47 : vector<512x640xf32> to vector<1x512x640xf32>
    %reduce_sum3A_49 = arith.constant dense<0.000000e+00> : vector<1xf32>
    %reduce_sum3A_50 = vector.multi_reduction <add>, %reduce_sum3A_48, %reduce_sum3A_49 [1, 2] : vector<1x512x640xf32> to vector<1xf32>
    %reduce_sum3A_51 = vector.shape_cast %reduce_sum3A_50 : vector<1xf32> to vector<1x1x1xf32>
    %reduce_sum3A_52 = vector.extract %reduce_sum3A_51[0, 0, 0] : f32 from vector<1x1x1xf32>
    %roll3A_53 = arith.constant 3 : i32
    %roll3A_54 = tpu.dynamic_rotate %select_n3A_28 by %roll3A_53 dim 1 : vector<512x640xf32>, i32 -> vector<512x640xf32>
    %mul3A_55 = arith.mulf %select_n3A_38, %roll3A_54 : vector<512x640xf32>
    %reduce_sum3A_56 = vector.shape_cast %mul3A_55 : vector<512x640xf32> to vector<1x512x640xf32>
    %reduce_sum3A_57 = arith.constant dense<0.000000e+00> : vector<1xf32>
    %reduce_sum3A_58 = vector.multi_reduction <add>, %reduce_sum3A_56, %reduce_sum3A_57 [1, 2] : vector<1x512x640xf32> to vector<1xf32>
    %reduce_sum3A_59 = vector.shape_cast %reduce_sum3A_58 : vector<1xf32> to vector<1x1x1xf32>
    %reduce_sum3A_60 = vector.extract %reduce_sum3A_59[0, 0, 0] : f32 from vector<1x1x1xf32>
    %roll3A_61 = arith.constant 4 : i32
    %roll3A_62 = tpu.dynamic_rotate %select_n3A_28 by %roll3A_61 dim 1 : vector<512x640xf32>, i32 -> vector<512x640xf32>
    %mul3A_63 = arith.mulf %select_n3A_38, %roll3A_62 : vector<512x640xf32>
    %reduce_sum3A_64 = vector.shape_cast %mul3A_63 : vector<512x640xf32> to vector<1x512x640xf32>
    %reduce_sum3A_65 = arith.constant dense<0.000000e+00> : vector<1xf32>
    %reduce_sum3A_66 = vector.multi_reduction <add>, %reduce_sum3A_64, %reduce_sum3A_65 [1, 2] : vector<1x512x640xf32> to vector<1xf32>
    %reduce_sum3A_67 = vector.shape_cast %reduce_sum3A_66 : vector<1xf32> to vector<1x1x1xf32>
    %reduce_sum3A_68 = vector.extract %reduce_sum3A_67[0, 0, 0] : f32 from vector<1x1x1xf32>
    %iota3A_69 = tpu.iota {dimensions = array<i32: 0>} : vector<640x128xi32>
    %iota3A_70 = tpu.iota {dimensions = array<i32: 1>} : vector<640x128xi32>
    %mul3A_71 = arith.constant 5 : i32
    %mul3A_72 = vector.broadcast %mul3A_71 : i32 to vector<640x128xi32>
    %mul3A_73 = arith.muli %mul3A_72, %iota3A_70 : vector<640x128xi32>
    %eq3A_74 = arith.cmpi eq, %iota3A_69, %mul3A_73 : vector<640x128xi32>
    %jit3A_75 = arith.constant 1.000000e+00 : f32
    %jit3A_76 = arith.constant 0.000000e+00 : f32
    %broadcast_in_dim3A_77 = vector.broadcast %jit3A_75 : f32 to vector<640x128xf32>
    %broadcast_in_dim3A_78 = vector.broadcast %jit3A_76 : f32 to vector<640x128xf32>
    %select_n3A_79 = arith.select %eq3A_74, %broadcast_in_dim3A_77, %broadcast_in_dim3A_78 : vector<640x128xi1>, vector<640x128xf32>
    %jit3A_80 = arith.constant 0.000000e+00 : f32
    %broadcast_in_dim3A_81 = vector.broadcast %jit3A_80 : f32 to vector<512x640xf32>
    %select_n3A_82 = arith.select %eq3A_21, %get3A_1, %broadcast_in_dim3A_81 : vector<512x640xi1>, vector<512x640xf32>
    %dot_general3A = arith.constant dense<0.000000e+00> : vector<512x128xf32>
    %dot_general3A_83 = tpu.matmul %select_n3A_82, %select_n3A_79, %dot_general3A {dimension_numbers = #tpu.dot_dimension_numbers<[1], [0], [0], [1], [0, 0, 1, 1], [], []>, precision = #tpu.contract_precision<fp32>, transpose_lhs_hint = false} : vector<512x640xf32>, vector<640x128xf32>, vector<512x128xf32> -> vector<512x128xf32>
    %jit3A_84 = arith.constant 0.000000e+00 : f32
    %broadcast_in_dim3A_85 = vector.broadcast %jit3A_84 : f32 to vector<512x640xf32>
    %select_n3A_86 = arith.select %eq3A_21, %get3A_4, %broadcast_in_dim3A_85 : vector<512x640xi1>, vector<512x640xf32>
    %dot_general3A_87 = arith.constant dense<0.000000e+00> : vector<512x128xf32>
    %dot_general3A_88 = tpu.matmul %select_n3A_86, %select_n3A_79, %dot_general3A_87 {dimension_numbers = #tpu.dot_dimension_numbers<[1], [0], [0], [1], [0, 0, 1, 1], [], []>, precision = #tpu.contract_precision<fp32>, transpose_lhs_hint = false} : vector<512x640xf32>, vector<640x128xf32>, vector<512x128xf32> -> vector<512x128xf32>
    %gt3A_89 = arith.constant 5.000000e-01 : f32
    %gt3A_90 = vector.broadcast %gt3A_89 : f32 to vector<512x128xf32>
    %gt3A_91 = arith.cmpf ogt, %dot_general3A_88, %gt3A_90 : vector<512x128xf32>
    %lt3A_92 = arith.constant -5.000000e-01 : f32
    %lt3A_93 = vector.broadcast %lt3A_92 : f32 to vector<512x128xf32>
    %lt3A_94 = arith.cmpf olt, %dot_general3A_88, %lt3A_93 : vector<512x128xf32>
    %logistic3A = arith.negf %dot_general3A_83 : vector<512x128xf32>
    %logistic3A_95 = math.exp %logistic3A : vector<512x128xf32>
    %logistic3A_96 = arith.constant 1.000000e+00 : f32
    %logistic3A_97 = vector.broadcast %logistic3A_96 : f32 to vector<512x128xf32>
    %logistic3A_98 = arith.addf %logistic3A_97, %logistic3A_95 : vector<512x128xf32>
    %logistic3A_99 = arith.divf %logistic3A_97, %logistic3A_98 : vector<512x128xf32>
    %log3A = math.log %logistic3A_99 : vector<512x128xf32>
    %max3A = arith.constant -1.000000e+02 : f32
    %max3A_100 = vector.broadcast %max3A : f32 to vector<512x128xf32>
    %max3A_101 = arith.maximumf %log3A, %max3A_100 : vector<512x128xf32>
    %sub3A_102 = arith.constant 1.000000e+00 : f32
    %sub3A_103 = vector.broadcast %sub3A_102 : f32 to vector<512x128xf32>
    %sub3A_104 = arith.subf %sub3A_103, %logistic3A_99 : vector<512x128xf32>
    %log3A_105 = math.log %sub3A_104 : vector<512x128xf32>
    %max3A_106 = arith.constant -1.000000e+02 : f32
    %max3A_107 = vector.broadcast %max3A_106 : f32 to vector<512x128xf32>
    %max3A_108 = arith.maximumf %log3A_105, %max3A_107 : vector<512x128xf32>
    %eq3A_109 = arith.constant 1.000000e+00 : f32
    %eq3A_110 = vector.broadcast %eq3A_109 : f32 to vector<512x128xf32>
    %eq3A_111 = arith.cmpf oeq, %dot_general3A_88, %eq3A_110 : vector<512x128xf32>
    %jit3A_112 = arith.constant 2.500000e-01 : f32
    %jit3A_113 = arith.constant 7.500000e-01 : f32
    %broadcast_in_dim3A_114 = vector.broadcast %jit3A_112 : f32 to vector<512x128xf32>
    %broadcast_in_dim3A_115 = vector.broadcast %jit3A_113 : f32 to vector<512x128xf32>
    %select_n3A_116 = arith.select %eq3A_111, %broadcast_in_dim3A_114, %broadcast_in_dim3A_115 : vector<512x128xi1>, vector<512x128xf32>
    %eq3A_117 = arith.constant 1.000000e+00 : f32
    %eq3A_118 = vector.broadcast %eq3A_117 : f32 to vector<512x128xf32>
    %eq3A_119 = arith.cmpf oeq, %dot_general3A_88, %eq3A_118 : vector<512x128xf32>
    %sub3A_120 = arith.constant 1.000000e+00 : f32
    %sub3A_121 = vector.broadcast %sub3A_120 : f32 to vector<512x128xf32>
    %sub3A_122 = arith.subf %sub3A_121, %logistic3A_99 : vector<512x128xf32>
    %select_n3A_123 = arith.select %eq3A_119, %logistic3A_99, %sub3A_122 : vector<512x128xi1>, vector<512x128xf32>
    %mul3A_124 = arith.mulf %dot_general3A_88, %max3A_101 : vector<512x128xf32>
    %sub3A_125 = arith.constant 1.000000e+00 : f32
    %sub3A_126 = vector.broadcast %sub3A_125 : f32 to vector<512x128xf32>
    %sub3A_127 = arith.subf %sub3A_126, %dot_general3A_88 : vector<512x128xf32>
    %mul3A_128 = arith.mulf %sub3A_127, %max3A_108 : vector<512x128xf32>
    %add3A_129 = arith.addf %mul3A_124, %mul3A_128 : vector<512x128xf32>
    %neg3A = arith.constant 0.000000e+00 : f32
    %neg3A_130 = vector.broadcast %neg3A : f32 to vector<512x128xf32>
    %neg3A_131 = arith.subf %neg3A_130, %add3A_129 : vector<512x128xf32>
    %sub3A_132 = arith.constant 1.000000e+00 : f32
    %sub3A_133 = vector.broadcast %sub3A_132 : f32 to vector<512x128xf32>
    %sub3A_134 = arith.subf %sub3A_133, %select_n3A_123 : vector<512x128xf32>
    %mul3A_135 = arith.mulf %select_n3A_116, %sub3A_134 : vector<512x128xf32>
    %mul3A_136 = arith.mulf %mul3A_135, %sub3A_134 : vector<512x128xf32>
    %mul3A_137 = arith.mulf %mul3A_136, %neg3A_131 : vector<512x128xf32>
    %jit3A_138 = arith.constant 0.000000e+00 : f32
    %broadcast_in_dim3A_139 = vector.broadcast %jit3A_138 : f32 to vector<512x128xf32>
    %select_n3A_140 = arith.select %gt3A_91, %mul3A_137, %broadcast_in_dim3A_139 : vector<512x128xi1>, vector<512x128xf32>
    %reduce_sum3A_141 = vector.shape_cast %select_n3A_140 : vector<512x128xf32> to vector<1x512x128xf32>
    %reduce_sum3A_142 = arith.constant dense<0.000000e+00> : vector<1xf32>
    %reduce_sum3A_143 = vector.multi_reduction <add>, %reduce_sum3A_141, %reduce_sum3A_142 [1, 2] : vector<1x512x128xf32> to vector<1xf32>
    %reduce_sum3A_144 = vector.shape_cast %reduce_sum3A_143 : vector<1xf32> to vector<1x1x1xf32>
    %reduce_sum3A_145 = vector.extract %reduce_sum3A_144[0, 0, 0] : f32 from vector<1x1x1xf32>
    %jit3A_146 = arith.constant 1.000000e+00 : f32
    %jit3A_147 = arith.constant 0.000000e+00 : f32
    %broadcast_in_dim3A_148 = vector.broadcast %jit3A_146 : f32 to vector<512x128xf32>
    %broadcast_in_dim3A_149 = vector.broadcast %jit3A_147 : f32 to vector<512x128xf32>
    %select_n3A_150 = arith.select %gt3A_91, %broadcast_in_dim3A_148, %broadcast_in_dim3A_149 : vector<512x128xi1>, vector<512x128xf32>
    %reduce_sum3A_151 = vector.shape_cast %select_n3A_150 : vector<512x128xf32> to vector<1x512x128xf32>
    %reduce_sum3A_152 = arith.constant dense<0.000000e+00> : vector<1xf32>
    %reduce_sum3A_153 = vector.multi_reduction <add>, %reduce_sum3A_151, %reduce_sum3A_152 [1, 2] : vector<1x512x128xf32> to vector<1xf32>
    %reduce_sum3A_154 = vector.shape_cast %reduce_sum3A_153 : vector<1xf32> to vector<1x1x1xf32>
    %reduce_sum3A_155 = vector.extract %reduce_sum3A_154[0, 0, 0] : f32 from vector<1x1x1xf32>
    %jit3A_156 = arith.constant 1.000000e+00 : f32
    %jit3A_157 = arith.constant 0.000000e+00 : f32
    %broadcast_in_dim3A_158 = vector.broadcast %jit3A_156 : f32 to vector<512x128xf32>
    %broadcast_in_dim3A_159 = vector.broadcast %jit3A_157 : f32 to vector<512x128xf32>
    %select_n3A_160 = arith.select %lt3A_94, %broadcast_in_dim3A_158, %broadcast_in_dim3A_159 : vector<512x128xi1>, vector<512x128xf32>
    %reduce_sum3A_161 = vector.shape_cast %select_n3A_160 : vector<512x128xf32> to vector<1x512x128xf32>
    %reduce_sum3A_162 = arith.constant dense<0.000000e+00> : vector<1xf32>
    %reduce_sum3A_163 = vector.multi_reduction <add>, %reduce_sum3A_161, %reduce_sum3A_162 [1, 2] : vector<1x512x128xf32> to vector<1xf32>
    %reduce_sum3A_164 = vector.shape_cast %reduce_sum3A_163 : vector<1xf32> to vector<1x1x1xf32>
    %reduce_sum3A_165 = vector.extract %reduce_sum3A_164[0, 0, 0] : f32 from vector<1x1x1xf32>
    %ge3A = arith.constant 5.000000e-01 : f32
    %ge3A_166 = vector.broadcast %ge3A : f32 to vector<512x128xf32>
    %ge3A_167 = arith.cmpf oge, %logistic3A_99, %ge3A_166 : vector<512x128xf32>
    %and3A_168 = arith.andi %gt3A_91, %ge3A_167 : vector<512x128xi1>
    %jit3A_169 = arith.constant 1.000000e+00 : f32
    %jit3A_170 = arith.constant 0.000000e+00 : f32
    %broadcast_in_dim3A_171 = vector.broadcast %jit3A_169 : f32 to vector<512x128xf32>
    %broadcast_in_dim3A_172 = vector.broadcast %jit3A_170 : f32 to vector<512x128xf32>
    %select_n3A_173 = arith.select %and3A_168, %broadcast_in_dim3A_171, %broadcast_in_dim3A_172 : vector<512x128xi1>, vector<512x128xf32>
    %reduce_sum3A_174 = vector.shape_cast %select_n3A_173 : vector<512x128xf32> to vector<1x512x128xf32>
    %reduce_sum3A_175 = arith.constant dense<0.000000e+00> : vector<1xf32>
    %reduce_sum3A_176 = vector.multi_reduction <add>, %reduce_sum3A_174, %reduce_sum3A_175 [1, 2] : vector<1x512x128xf32> to vector<1xf32>
    %reduce_sum3A_177 = vector.shape_cast %reduce_sum3A_176 : vector<1xf32> to vector<1x1x1xf32>
    %reduce_sum3A_178 = vector.extract %reduce_sum3A_177[0, 0, 0] : f32 from vector<1x1x1xf32>
    %gt3A_179 = arith.constant 3.000000e-01 : f32
    %gt3A_180 = vector.broadcast %gt3A_179 : f32 to vector<512x128xf32>
    %gt3A_181 = arith.cmpf ogt, %logistic3A_99, %gt3A_180 : vector<512x128xf32>
    %and3A_182 = arith.andi %gt3A_91, %gt3A_181 : vector<512x128xi1>
    %lt3A_183 = arith.constant 5.000000e-01 : f32
    %lt3A_184 = vector.broadcast %lt3A_183 : f32 to vector<512x128xf32>
    %lt3A_185 = arith.cmpf olt, %logistic3A_99, %lt3A_184 : vector<512x128xf32>
    %and3A_186 = arith.andi %and3A_182, %lt3A_185 : vector<512x128xi1>
    %jit3A_187 = arith.constant 1.000000e+00 : f32
    %jit3A_188 = arith.constant 0.000000e+00 : f32
    %broadcast_in_dim3A_189 = vector.broadcast %jit3A_187 : f32 to vector<512x128xf32>
    %broadcast_in_dim3A_190 = vector.broadcast %jit3A_188 : f32 to vector<512x128xf32>
    %select_n3A_191 = arith.select %and3A_186, %broadcast_in_dim3A_189, %broadcast_in_dim3A_190 : vector<512x128xi1>, vector<512x128xf32>
    %reduce_sum3A_192 = vector.shape_cast %select_n3A_191 : vector<512x128xf32> to vector<1x512x128xf32>
    %reduce_sum3A_193 = arith.constant dense<0.000000e+00> : vector<1xf32>
    %reduce_sum3A_194 = vector.multi_reduction <add>, %reduce_sum3A_192, %reduce_sum3A_193 [1, 2] : vector<1x512x128xf32> to vector<1xf32>
    %reduce_sum3A_195 = vector.shape_cast %reduce_sum3A_194 : vector<1xf32> to vector<1x1x1xf32>
    %reduce_sum3A_196 = vector.extract %reduce_sum3A_195[0, 0, 0] : f32 from vector<1x1x1xf32>
    %jit3A_197 = arith.constant 0xFF800000 : f32
    %broadcast_in_dim3A_198 = vector.broadcast %jit3A_197 : f32 to vector<512x128xf32>
    %select_n3A_199 = arith.select %lt3A_94, %dot_general3A_83, %broadcast_in_dim3A_198 : vector<512x128xi1>, vector<512x128xf32>
    %swap3A = arith.constant 0 : index
    %swap3A_200 = arith.constant 0 : index
    %swap3A_201 = vector.load %arg4[%swap3A, %swap3A_200] : memref<512x128xf32, #tpu.memory_space<vmem>>, vector<512x128xf32>
    tpu.vector_store %arg4[%swap3A, %swap3A_200], %select_n3A_199 {strides = array<i32>} : memref<512x128xf32, #tpu.memory_space<vmem>>, vector<512x128xf32>,
    %swap3A_202 = arith.constant 0 : index
    %swap3A_203 = arith.constant 0 : index
    %swap3A_204 = vector.load %arg5[%swap3A_202, %swap3A_203] : memref<512x128xf32, #tpu.memory_space<vmem>>, vector<512x128xf32>
    tpu.vector_store %arg5[%swap3A_202, %swap3A_203], %dot_general3A_88 {strides = array<i32>} : memref<512x128xf32, #tpu.memory_space<vmem>>, vector<512x128xf32>,
    %iota3A_205 = tpu.iota {dimensions = array<i32: 0>} : vector<8x128xi32>
    %iota3A_206 = tpu.iota {dimensions = array<i32: 1>} : vector<8x128xi32>
    %broadcast_in_dim3A_207 = arith.constant 0.000000e+00 : f32
    %broadcast_in_dim3A_208 = vector.broadcast %broadcast_in_dim3A_207 : f32 to vector<8x128xf32>
    %eq3A_209 = arith.constant 0 : i32
    %eq3A_210 = vector.broadcast %eq3A_209 : i32 to vector<8x128xi32>
    %eq3A_211 = arith.cmpi eq, %iota3A_205, %eq3A_210 : vector<8x128xi32>
    %eq3A_212 = arith.constant 0 : i32
    %eq3A_213 = vector.broadcast %eq3A_212 : i32 to vector<8x128xi32>
    %eq3A_214 = arith.cmpi eq, %iota3A_206, %eq3A_213 : vector<8x128xi32>
    %and3A_215 = arith.andi %eq3A_211, %eq3A_214 : vector<8x128xi1>
    %jit3A_216 = arith.constant 0.000000e+00 : f32
    %broadcast_in_dim3A_217 = vector.broadcast %reduce_sum3A_155 : f32 to vector<8x128xf32>
    %broadcast_in_dim3A_218 = vector.broadcast %jit3A_216 : f32 to vector<8x128xf32>
    %select_n3A_219 = arith.select %and3A_215, %broadcast_in_dim3A_217, %broadcast_in_dim3A_218 : vector<8x128xi1>, vector<8x128xf32>
    %add3A_220 = arith.addf %broadcast_in_dim3A_208, %select_n3A_219 : vector<8x128xf32>
    %eq3A_221 = arith.constant 0 : i32
    %eq3A_222 = vector.broadcast %eq3A_221 : i32 to vector<8x128xi32>
    %eq3A_223 = arith.cmpi eq, %iota3A_205, %eq3A_222 : vector<8x128xi32>
    %eq3A_224 = arith.constant 1 : i32
    %eq3A_225 = vector.broadcast %eq3A_224 : i32 to vector<8x128xi32>
    %eq3A_226 = arith.cmpi eq, %iota3A_206, %eq3A_225 : vector<8x128xi32>
    %and3A_227 = arith.andi %eq3A_223, %eq3A_226 : vector<8x128xi1>
    %jit3A_228 = arith.constant 0.000000e+00 : f32
    %broadcast_in_dim3A_229 = vector.broadcast %reduce_sum3A_165 : f32 to vector<8x128xf32>
    %broadcast_in_dim3A_230 = vector.broadcast %jit3A_228 : f32 to vector<8x128xf32>
    %select_n3A_231 = arith.select %and3A_227, %broadcast_in_dim3A_229, %broadcast_in_dim3A_230 : vector<8x128xi1>, vector<8x128xf32>
    %add3A_232 = arith.addf %add3A_220, %select_n3A_231 : vector<8x128xf32>
    %eq3A_233 = arith.constant 0 : i32
    %eq3A_234 = vector.broadcast %eq3A_233 : i32 to vector<8x128xi32>
    %eq3A_235 = arith.cmpi eq, %iota3A_205, %eq3A_234 : vector<8x128xi32>
    %eq3A_236 = arith.constant 2 : i32
    %eq3A_237 = vector.broadcast %eq3A_236 : i32 to vector<8x128xi32>
    %eq3A_238 = arith.cmpi eq, %iota3A_206, %eq3A_237 : vector<8x128xi32>
    %and3A_239 = arith.andi %eq3A_235, %eq3A_238 : vector<8x128xi1>
    %jit3A_240 = arith.constant 0.000000e+00 : f32
    %broadcast_in_dim3A_241 = vector.broadcast %reduce_sum3A_44 : f32 to vector<8x128xf32>
    %broadcast_in_dim3A_242 = vector.broadcast %jit3A_240 : f32 to vector<8x128xf32>
    %select_n3A_243 = arith.select %and3A_239, %broadcast_in_dim3A_241, %broadcast_in_dim3A_242 : vector<8x128xi1>, vector<8x128xf32>
    %add3A_244 = arith.addf %add3A_232, %select_n3A_243 : vector<8x128xf32>
    %eq3A_245 = arith.constant 0 : i32
    %eq3A_246 = vector.broadcast %eq3A_245 : i32 to vector<8x128xi32>
    %eq3A_247 = arith.cmpi eq, %iota3A_205, %eq3A_246 : vector<8x128xi32>
    %eq3A_248 = arith.constant 3 : i32
    %eq3A_249 = vector.broadcast %eq3A_248 : i32 to vector<8x128xi32>
    %eq3A_250 = arith.cmpi eq, %iota3A_206, %eq3A_249 : vector<8x128xi32>
    %and3A_251 = arith.andi %eq3A_247, %eq3A_250 : vector<8x128xi1>
    %jit3A_252 = arith.constant 0.000000e+00 : f32
    %broadcast_in_dim3A_253 = vector.broadcast %reduce_sum3A_52 : f32 to vector<8x128xf32>
    %broadcast_in_dim3A_254 = vector.broadcast %jit3A_252 : f32 to vector<8x128xf32>
    %select_n3A_255 = arith.select %and3A_251, %broadcast_in_dim3A_253, %broadcast_in_dim3A_254 : vector<8x128xi1>, vector<8x128xf32>
    %add3A_256 = arith.addf %add3A_244, %select_n3A_255 : vector<8x128xf32>
    %eq3A_257 = arith.constant 0 : i32
    %eq3A_258 = vector.broadcast %eq3A_257 : i32 to vector<8x128xi32>
    %eq3A_259 = arith.cmpi eq, %iota3A_205, %eq3A_258 : vector<8x128xi32>
    %eq3A_260 = arith.constant 4 : i32
    %eq3A_261 = vector.broadcast %eq3A_260 : i32 to vector<8x128xi32>
    %eq3A_262 = arith.cmpi eq, %iota3A_206, %eq3A_261 : vector<8x128xi32>
    %and3A_263 = arith.andi %eq3A_259, %eq3A_262 : vector<8x128xi1>
    %jit3A_264 = arith.constant 0.000000e+00 : f32
    %broadcast_in_dim3A_265 = vector.broadcast %reduce_sum3A_60 : f32 to vector<8x128xf32>
    %broadcast_in_dim3A_266 = vector.broadcast %jit3A_264 : f32 to vector<8x128xf32>
    %select_n3A_267 = arith.select %and3A_263, %broadcast_in_dim3A_265, %broadcast_in_dim3A_266 : vector<8x128xi1>, vector<8x128xf32>
    %add3A_268 = arith.addf %add3A_256, %select_n3A_267 : vector<8x128xf32>
    %eq3A_269 = arith.constant 0 : i32
    %eq3A_270 = vector.broadcast %eq3A_269 : i32 to vector<8x128xi32>
    %eq3A_271 = arith.cmpi eq, %iota3A_205, %eq3A_270 : vector<8x128xi32>
    %eq3A_272 = arith.constant 5 : i32
    %eq3A_273 = vector.broadcast %eq3A_272 : i32 to vector<8x128xi32>
    %eq3A_274 = arith.cmpi eq, %iota3A_206, %eq3A_273 : vector<8x128xi32>
    %and3A_275 = arith.andi %eq3A_271, %eq3A_274 : vector<8x128xi1>
    %jit3A_276 = arith.constant 0.000000e+00 : f32
    %broadcast_in_dim3A_277 = vector.broadcast %reduce_sum3A_68 : f32 to vector<8x128xf32>
    %broadcast_in_dim3A_278 = vector.broadcast %jit3A_276 : f32 to vector<8x128xf32>
    %select_n3A_279 = arith.select %and3A_275, %broadcast_in_dim3A_277, %broadcast_in_dim3A_278 : vector<8x128xi1>, vector<8x128xf32>
    %add3A_280 = arith.addf %add3A_268, %select_n3A_279 : vector<8x128xf32>
    %eq3A_281 = arith.constant 0 : i32
    %eq3A_282 = vector.broadcast %eq3A_281 : i32 to vector<8x128xi32>
    %eq3A_283 = arith.cmpi eq, %iota3A_205, %eq3A_282 : vector<8x128xi32>
    %eq3A_284 = arith.constant 6 : i32
    %eq3A_285 = vector.broadcast %eq3A_284 : i32 to vector<8x128xi32>
    %eq3A_286 = arith.cmpi eq, %iota3A_206, %eq3A_285 : vector<8x128xi32>
    %and3A_287 = arith.andi %eq3A_283, %eq3A_286 : vector<8x128xi1>
    %jit3A_288 = arith.constant 0.000000e+00 : f32
    %broadcast_in_dim3A_289 = vector.broadcast %reduce_sum3A_145 : f32 to vector<8x128xf32>
    %broadcast_in_dim3A_290 = vector.broadcast %jit3A_288 : f32 to vector<8x128xf32>
    %select_n3A_291 = arith.select %and3A_287, %broadcast_in_dim3A_289, %broadcast_in_dim3A_290 : vector<8x128xi1>, vector<8x128xf32>
    %add3A_292 = arith.addf %add3A_280, %select_n3A_291 : vector<8x128xf32>
    %eq3A_293 = arith.constant 0 : i32
    %eq3A_294 = vector.broadcast %eq3A_293 : i32 to vector<8x128xi32>
    %eq3A_295 = arith.cmpi eq, %iota3A_205, %eq3A_294 : vector<8x128xi32>
    %eq3A_296 = arith.constant 7 : i32
    %eq3A_297 = vector.broadcast %eq3A_296 : i32 to vector<8x128xi32>
    %eq3A_298 = arith.cmpi eq, %iota3A_206, %eq3A_297 : vector<8x128xi32>
    %and3A_299 = arith.andi %eq3A_295, %eq3A_298 : vector<8x128xi1>
    %jit3A_300 = arith.constant 0.000000e+00 : f32
    %broadcast_in_dim3A_301 = vector.broadcast %reduce_sum3A_178 : f32 to vector<8x128xf32>
    %broadcast_in_dim3A_302 = vector.broadcast %jit3A_300 : f32 to vector<8x128xf32>
    %select_n3A_303 = arith.select %and3A_299, %broadcast_in_dim3A_301, %broadcast_in_dim3A_302 : vector<8x128xi1>, vector<8x128xf32>
    %add3A_304 = arith.addf %add3A_292, %select_n3A_303 : vector<8x128xf32>
    %eq3A_305 = arith.constant 0 : i32
    %eq3A_306 = vector.broadcast %eq3A_305 : i32 to vector<8x128xi32>
    %eq3A_307 = arith.cmpi eq, %iota3A_205, %eq3A_306 : vector<8x128xi32>
    %eq3A_308 = arith.constant 8 : i32
    %eq3A_309 = vector.broadcast %eq3A_308 : i32 to vector<8x128xi32>
    %eq3A_310 = arith.cmpi eq, %iota3A_206, %eq3A_309 : vector<8x128xi32>
    %and3A_311 = arith.andi %eq3A_307, %eq3A_310 : vector<8x128xi1>
    %jit3A_312 = arith.constant 0.000000e+00 : f32
    %broadcast_in_dim3A_313 = vector.broadcast %reduce_sum3A_196 : f32 to vector<8x128xf32>
    %broadcast_in_dim3A_314 = vector.broadcast %jit3A_312 : f32 to vector<8x128xf32>
    %select_n3A_315 = arith.select %and3A_311, %broadcast_in_dim3A_313, %broadcast_in_dim3A_314 : vector<8x128xi1>, vector<8x128xf32>
    %add3A_316 = arith.addf %add3A_304, %select_n3A_315 : vector<8x128xf32>
    %eq3A_317 = arith.constant 0 : i32
    %eq3A_318 = arith.cmpi eq, %arg0, %eq3A_317 : i32
    %convert_element_type3A = arith.extui %eq3A_318 : i1 to i32
    %cond3A = arith.constant 0 : i32
    %cond3A_319 = arith.cmpi ne, %convert_element_type3A, %cond3A : i32
    scf.if %cond3A_319 {
      %swap3A_325 = arith.constant 0 : index
      %swap3A_326 = arith.constant 0 : index
      %swap3A_327 = vector.load %arg3[%swap3A_325, %swap3A_326] : memref<8x128xf32, #tpu.memory_space<vmem>>, vector<8x128xf32>
      tpu.vector_store %arg3[%swap3A_325, %swap3A_326], %add3A_316 {strides = array<i32>} : memref<8x128xf32, #tpu.memory_space<vmem>>, vector<8x128xf32>,
    } else {
    }
    %gt3A_320 = arith.constant 0 : i32
    %gt3A_321 = arith.cmpi sgt, %arg0, %gt3A_320 : i32
    %convert_element_type3A_322 = arith.extui %gt3A_321 : i1 to i32
    %cond3A_323 = arith.constant 0 : i32
    %cond3A_324 = arith.cmpi ne, %convert_element_type3A_322, %cond3A_323 : i32
    scf.if %cond3A_324 {
      %get3A_325 = arith.constant 0 : index
      %get3A_326 = arith.constant 0 : index
      %get3A_327 = vector.load %arg3[%get3A_325, %get3A_326] : memref<8x128xf32, #tpu.memory_space<vmem>>, vector<8x128xf32>
      %add3A_328 = arith.addf %get3A_327, %add3A_316 : vector<8x128xf32>
      %swap3A_329 = arith.constant 0 : index
      %swap3A_330 = arith.constant 0 : index
      %swap3A_331 = vector.load %arg3[%swap3A_329, %swap3A_330] : memref<8x128xf32, #tpu.memory_space<vmem>>, vector<8x128xf32>
      tpu.vector_store %arg3[%swap3A_329, %swap3A_330], %add3A_328 {strides = array<i32>} : memref<8x128xf32, #tpu.memory_space<vmem>>, vector<8x128xf32>,
    } else {
    }
    return
  }
  func.func @transform_0(%arg0: i32) -> (i32, i32) {
    %c0_i32 = arith.constant 0 : i32
    %c0_i32_0 = arith.constant 0 : i32
    return %arg0, %c0_i32 : i32, i32
  }
  func.func @transform_1(%arg0: i32) -> (i32, i32) {
    %c0_i32 = arith.constant 0 : i32
    %c0_i32_0 = arith.constant 0 : i32
    return %arg0, %c0_i32 : i32, i32
  }
  func.func @transform_2(%arg0: i32) -> (i32, i32) {
    %c0_i32 = arith.constant 0 : i32
    %c0_i32_0 = arith.constant 0 : i32
    %c0_i32_1 = arith.constant 0 : i32
    return %c0_i32, %c0_i32_0 : i32, i32
  }
  func.func @transform_3(%arg0: i32) -> (i32, i32) {
    %c0_i32 = arith.constant 0 : i32
    %c0_i32_0 = arith.constant 0 : i32
    return %arg0, %c0_i32 : i32, i32
  }
  func.func @transform_4(%arg0: i32) -> (i32, i32) {
    %c0_i32 = arith.constant 0 : i32
    %c0_i32_0 = arith.constant 0 : i32
    return %arg0, %c0_i32 : i32, i32
  }
}

module attributes {stable_mosaic.version = 14 : i64} {
  func.func @_stage_c_body(%arg0: memref<8x128xf32, #tpu.memory_space<vmem>>, %arg1: memref<32x32xf32, #tpu.memory_space<vmem>>, %arg2: memref<32x32xf32, #tpu.memory_space<vmem>>, %arg3: memref<8x128xf32, #tpu.memory_space<vmem>>) attributes {dimension_semantics = [], scalar_prefetch = 0 : i64, scratch_operands = 0 : i64, tpu.core_type = #tpu.core_type<tc>} {
    %get3A = arith.constant 0 : index
    %get3A_0 = arith.constant 0 : index
    %get3A_1 = vector.load %arg0[%get3A, %get3A_0] : memref<8x128xf32, #tpu.memory_space<vmem>>, vector<8x128xf32>
    %iota3A = tpu.iota {dimensions = array<i32: 0>} : vector<8x128xi32>
    %iota3A_2 = tpu.iota {dimensions = array<i32: 1>} : vector<8x128xi32>
    %eq3A = arith.constant 0 : i32
    %eq3A_3 = vector.broadcast %eq3A : i32 to vector<8x128xi32>
    %eq3A_4 = arith.cmpi eq, %iota3A, %eq3A_3 : vector<8x128xi32>
    %eq3A_5 = arith.constant 0 : i32
    %eq3A_6 = vector.broadcast %eq3A_5 : i32 to vector<8x128xi32>
    %eq3A_7 = arith.cmpi eq, %iota3A_2, %eq3A_6 : vector<8x128xi32>
    %and3A = arith.andi %eq3A_4, %eq3A_7 : vector<8x128xi1>
    %jit3A = arith.constant 0.000000e+00 : f32
    %broadcast_in_dim3A = vector.broadcast %jit3A : f32 to vector<8x128xf32>
    %select_n3A = arith.select %and3A, %get3A_1, %broadcast_in_dim3A : vector<8x128xi1>, vector<8x128xf32>
    %reduce_sum3A = vector.shape_cast %select_n3A : vector<8x128xf32> to vector<1x8x128xf32>
    %reduce_sum3A_8 = arith.constant dense<0.000000e+00> : vector<1xf32>
    %reduce_sum3A_9 = vector.multi_reduction <add>, %reduce_sum3A, %reduce_sum3A_8 [1, 2] : vector<1x8x128xf32> to vector<1xf32>
    %reduce_sum3A_10 = vector.shape_cast %reduce_sum3A_9 : vector<1xf32> to vector<1x1x1xf32>
    %reduce_sum3A_11 = vector.extract %reduce_sum3A_10[0, 0, 0] : f32 from vector<1x1x1xf32>
    %eq3A_12 = arith.constant 0 : i32
    %eq3A_13 = vector.broadcast %eq3A_12 : i32 to vector<8x128xi32>
    %eq3A_14 = arith.cmpi eq, %iota3A, %eq3A_13 : vector<8x128xi32>
    %eq3A_15 = arith.constant 1 : i32
    %eq3A_16 = vector.broadcast %eq3A_15 : i32 to vector<8x128xi32>
    %eq3A_17 = arith.cmpi eq, %iota3A_2, %eq3A_16 : vector<8x128xi32>
    %and3A_18 = arith.andi %eq3A_14, %eq3A_17 : vector<8x128xi1>
    %jit3A_19 = arith.constant 0.000000e+00 : f32
    %broadcast_in_dim3A_20 = vector.broadcast %jit3A_19 : f32 to vector<8x128xf32>
    %select_n3A_21 = arith.select %and3A_18, %get3A_1, %broadcast_in_dim3A_20 : vector<8x128xi1>, vector<8x128xf32>
    %reduce_sum3A_22 = vector.shape_cast %select_n3A_21 : vector<8x128xf32> to vector<1x8x128xf32>
    %reduce_sum3A_23 = arith.constant dense<0.000000e+00> : vector<1xf32>
    %reduce_sum3A_24 = vector.multi_reduction <add>, %reduce_sum3A_22, %reduce_sum3A_23 [1, 2] : vector<1x8x128xf32> to vector<1xf32>
    %reduce_sum3A_25 = vector.shape_cast %reduce_sum3A_24 : vector<1xf32> to vector<1x1x1xf32>
    %reduce_sum3A_26 = vector.extract %reduce_sum3A_25[0, 0, 0] : f32 from vector<1x1x1xf32>
    %eq3A_27 = arith.constant 0 : i32
    %eq3A_28 = vector.broadcast %eq3A_27 : i32 to vector<8x128xi32>
    %eq3A_29 = arith.cmpi eq, %iota3A, %eq3A_28 : vector<8x128xi32>
    %eq3A_30 = arith.constant 2 : i32
    %eq3A_31 = vector.broadcast %eq3A_30 : i32 to vector<8x128xi32>
    %eq3A_32 = arith.cmpi eq, %iota3A_2, %eq3A_31 : vector<8x128xi32>
    %and3A_33 = arith.andi %eq3A_29, %eq3A_32 : vector<8x128xi1>
    %jit3A_34 = arith.constant 0.000000e+00 : f32
    %broadcast_in_dim3A_35 = vector.broadcast %jit3A_34 : f32 to vector<8x128xf32>
    %select_n3A_36 = arith.select %and3A_33, %get3A_1, %broadcast_in_dim3A_35 : vector<8x128xi1>, vector<8x128xf32>
    %reduce_sum3A_37 = vector.shape_cast %select_n3A_36 : vector<8x128xf32> to vector<1x8x128xf32>
    %reduce_sum3A_38 = arith.constant dense<0.000000e+00> : vector<1xf32>
    %reduce_sum3A_39 = vector.multi_reduction <add>, %reduce_sum3A_37, %reduce_sum3A_38 [1, 2] : vector<1x8x128xf32> to vector<1xf32>
    %reduce_sum3A_40 = vector.shape_cast %reduce_sum3A_39 : vector<1xf32> to vector<1x1x1xf32>
    %reduce_sum3A_41 = vector.extract %reduce_sum3A_40[0, 0, 0] : f32 from vector<1x1x1xf32>
    %eq3A_42 = arith.constant 0 : i32
    %eq3A_43 = vector.broadcast %eq3A_42 : i32 to vector<8x128xi32>
    %eq3A_44 = arith.cmpi eq, %iota3A, %eq3A_43 : vector<8x128xi32>
    %eq3A_45 = arith.constant 3 : i32
    %eq3A_46 = vector.broadcast %eq3A_45 : i32 to vector<8x128xi32>
    %eq3A_47 = arith.cmpi eq, %iota3A_2, %eq3A_46 : vector<8x128xi32>
    %and3A_48 = arith.andi %eq3A_44, %eq3A_47 : vector<8x128xi1>
    %jit3A_49 = arith.constant 0.000000e+00 : f32
    %broadcast_in_dim3A_50 = vector.broadcast %jit3A_49 : f32 to vector<8x128xf32>
    %select_n3A_51 = arith.select %and3A_48, %get3A_1, %broadcast_in_dim3A_50 : vector<8x128xi1>, vector<8x128xf32>
    %reduce_sum3A_52 = vector.shape_cast %select_n3A_51 : vector<8x128xf32> to vector<1x8x128xf32>
    %reduce_sum3A_53 = arith.constant dense<0.000000e+00> : vector<1xf32>
    %reduce_sum3A_54 = vector.multi_reduction <add>, %reduce_sum3A_52, %reduce_sum3A_53 [1, 2] : vector<1x8x128xf32> to vector<1xf32>
    %reduce_sum3A_55 = vector.shape_cast %reduce_sum3A_54 : vector<1xf32> to vector<1x1x1xf32>
    %reduce_sum3A_56 = vector.extract %reduce_sum3A_55[0, 0, 0] : f32 from vector<1x1x1xf32>
    %eq3A_57 = arith.constant 0 : i32
    %eq3A_58 = vector.broadcast %eq3A_57 : i32 to vector<8x128xi32>
    %eq3A_59 = arith.cmpi eq, %iota3A, %eq3A_58 : vector<8x128xi32>
    %eq3A_60 = arith.constant 4 : i32
    %eq3A_61 = vector.broadcast %eq3A_60 : i32 to vector<8x128xi32>
    %eq3A_62 = arith.cmpi eq, %iota3A_2, %eq3A_61 : vector<8x128xi32>
    %and3A_63 = arith.andi %eq3A_59, %eq3A_62 : vector<8x128xi1>
    %jit3A_64 = arith.constant 0.000000e+00 : f32
    %broadcast_in_dim3A_65 = vector.broadcast %jit3A_64 : f32 to vector<8x128xf32>
    %select_n3A_66 = arith.select %and3A_63, %get3A_1, %broadcast_in_dim3A_65 : vector<8x128xi1>, vector<8x128xf32>
    %reduce_sum3A_67 = vector.shape_cast %select_n3A_66 : vector<8x128xf32> to vector<1x8x128xf32>
    %reduce_sum3A_68 = arith.constant dense<0.000000e+00> : vector<1xf32>
    %reduce_sum3A_69 = vector.multi_reduction <add>, %reduce_sum3A_67, %reduce_sum3A_68 [1, 2] : vector<1x8x128xf32> to vector<1xf32>
    %reduce_sum3A_70 = vector.shape_cast %reduce_sum3A_69 : vector<1xf32> to vector<1x1x1xf32>
    %reduce_sum3A_71 = vector.extract %reduce_sum3A_70[0, 0, 0] : f32 from vector<1x1x1xf32>
    %eq3A_72 = arith.constant 0 : i32
    %eq3A_73 = vector.broadcast %eq3A_72 : i32 to vector<8x128xi32>
    %eq3A_74 = arith.cmpi eq, %iota3A, %eq3A_73 : vector<8x128xi32>
    %eq3A_75 = arith.constant 5 : i32
    %eq3A_76 = vector.broadcast %eq3A_75 : i32 to vector<8x128xi32>
    %eq3A_77 = arith.cmpi eq, %iota3A_2, %eq3A_76 : vector<8x128xi32>
    %and3A_78 = arith.andi %eq3A_74, %eq3A_77 : vector<8x128xi1>
    %jit3A_79 = arith.constant 0.000000e+00 : f32
    %broadcast_in_dim3A_80 = vector.broadcast %jit3A_79 : f32 to vector<8x128xf32>
    %select_n3A_81 = arith.select %and3A_78, %get3A_1, %broadcast_in_dim3A_80 : vector<8x128xi1>, vector<8x128xf32>
    %reduce_sum3A_82 = vector.shape_cast %select_n3A_81 : vector<8x128xf32> to vector<1x8x128xf32>
    %reduce_sum3A_83 = arith.constant dense<0.000000e+00> : vector<1xf32>
    %reduce_sum3A_84 = vector.multi_reduction <add>, %reduce_sum3A_82, %reduce_sum3A_83 [1, 2] : vector<1x8x128xf32> to vector<1xf32>
    %reduce_sum3A_85 = vector.shape_cast %reduce_sum3A_84 : vector<1xf32> to vector<1x1x1xf32>
    %reduce_sum3A_86 = vector.extract %reduce_sum3A_85[0, 0, 0] : f32 from vector<1x1x1xf32>
    %eq3A_87 = arith.constant 0 : i32
    %eq3A_88 = vector.broadcast %eq3A_87 : i32 to vector<8x128xi32>
    %eq3A_89 = arith.cmpi eq, %iota3A, %eq3A_88 : vector<8x128xi32>
    %eq3A_90 = arith.constant 6 : i32
    %eq3A_91 = vector.broadcast %eq3A_90 : i32 to vector<8x128xi32>
    %eq3A_92 = arith.cmpi eq, %iota3A_2, %eq3A_91 : vector<8x128xi32>
    %and3A_93 = arith.andi %eq3A_89, %eq3A_92 : vector<8x128xi1>
    %jit3A_94 = arith.constant 0.000000e+00 : f32
    %broadcast_in_dim3A_95 = vector.broadcast %jit3A_94 : f32 to vector<8x128xf32>
    %select_n3A_96 = arith.select %and3A_93, %get3A_1, %broadcast_in_dim3A_95 : vector<8x128xi1>, vector<8x128xf32>
    %reduce_sum3A_97 = vector.shape_cast %select_n3A_96 : vector<8x128xf32> to vector<1x8x128xf32>
    %reduce_sum3A_98 = arith.constant dense<0.000000e+00> : vector<1xf32>
    %reduce_sum3A_99 = vector.multi_reduction <add>, %reduce_sum3A_97, %reduce_sum3A_98 [1, 2] : vector<1x8x128xf32> to vector<1xf32>
    %reduce_sum3A_100 = vector.shape_cast %reduce_sum3A_99 : vector<1xf32> to vector<1x1x1xf32>
    %reduce_sum3A_101 = vector.extract %reduce_sum3A_100[0, 0, 0] : f32 from vector<1x1x1xf32>
    %eq3A_102 = arith.constant 0 : i32
    %eq3A_103 = vector.broadcast %eq3A_102 : i32 to vector<8x128xi32>
    %eq3A_104 = arith.cmpi eq, %iota3A, %eq3A_103 : vector<8x128xi32>
    %eq3A_105 = arith.constant 7 : i32
    %eq3A_106 = vector.broadcast %eq3A_105 : i32 to vector<8x128xi32>
    %eq3A_107 = arith.cmpi eq, %iota3A_2, %eq3A_106 : vector<8x128xi32>
    %and3A_108 = arith.andi %eq3A_104, %eq3A_107 : vector<8x128xi1>
    %jit3A_109 = arith.constant 0.000000e+00 : f32
    %broadcast_in_dim3A_110 = vector.broadcast %jit3A_109 : f32 to vector<8x128xf32>
    %select_n3A_111 = arith.select %and3A_108, %get3A_1, %broadcast_in_dim3A_110 : vector<8x128xi1>, vector<8x128xf32>
    %reduce_sum3A_112 = vector.shape_cast %select_n3A_111 : vector<8x128xf32> to vector<1x8x128xf32>
    %reduce_sum3A_113 = arith.constant dense<0.000000e+00> : vector<1xf32>
    %reduce_sum3A_114 = vector.multi_reduction <add>, %reduce_sum3A_112, %reduce_sum3A_113 [1, 2] : vector<1x8x128xf32> to vector<1xf32>
    %reduce_sum3A_115 = vector.shape_cast %reduce_sum3A_114 : vector<1xf32> to vector<1x1x1xf32>
    %reduce_sum3A_116 = vector.extract %reduce_sum3A_115[0, 0, 0] : f32 from vector<1x1x1xf32>
    %eq3A_117 = arith.constant 0 : i32
    %eq3A_118 = vector.broadcast %eq3A_117 : i32 to vector<8x128xi32>
    %eq3A_119 = arith.cmpi eq, %iota3A, %eq3A_118 : vector<8x128xi32>
    %eq3A_120 = arith.constant 8 : i32
    %eq3A_121 = vector.broadcast %eq3A_120 : i32 to vector<8x128xi32>
    %eq3A_122 = arith.cmpi eq, %iota3A_2, %eq3A_121 : vector<8x128xi32>
    %and3A_123 = arith.andi %eq3A_119, %eq3A_122 : vector<8x128xi1>
    %jit3A_124 = arith.constant 0.000000e+00 : f32
    %broadcast_in_dim3A_125 = vector.broadcast %jit3A_124 : f32 to vector<8x128xf32>
    %select_n3A_126 = arith.select %and3A_123, %get3A_1, %broadcast_in_dim3A_125 : vector<8x128xi1>, vector<8x128xf32>
    %reduce_sum3A_127 = vector.shape_cast %select_n3A_126 : vector<8x128xf32> to vector<1x8x128xf32>
    %reduce_sum3A_128 = arith.constant dense<0.000000e+00> : vector<1xf32>
    %reduce_sum3A_129 = vector.multi_reduction <add>, %reduce_sum3A_127, %reduce_sum3A_128 [1, 2] : vector<1x8x128xf32> to vector<1xf32>
    %reduce_sum3A_130 = vector.shape_cast %reduce_sum3A_129 : vector<1xf32> to vector<1x1x1xf32>
    %reduce_sum3A_131 = vector.extract %reduce_sum3A_130[0, 0, 0] : f32 from vector<1x1x1xf32>
    %get3A_132 = arith.constant 0 : index
    %get3A_133 = arith.constant 0 : index
    %get3A_134 = vector.load %arg1[%get3A_132, %get3A_133] : memref<32x32xf32, #tpu.memory_space<vmem>>, vector<32x32xf32>
    %get3A_135 = arith.constant 0 : index
    %get3A_136 = arith.constant 0 : index
    %get3A_137 = vector.load %arg2[%get3A_135, %get3A_136] : memref<32x32xf32, #tpu.memory_space<vmem>>, vector<32x32xf32>
    %iota3A_138 = tpu.iota {dimensions = array<i32: 0>} : vector<32x32xi32>
    %mul3A = arith.constant 32 : i32
    %mul3A_139 = vector.broadcast %mul3A : i32 to vector<32x32xi32>
    %mul3A_140 = arith.muli %iota3A_138, %mul3A_139 : vector<32x32xi32>
    %iota3A_141 = tpu.iota {dimensions = array<i32: 1>} : vector<32x32xi32>
    %add3A = arith.addi %mul3A_140, %iota3A_141 : vector<32x32xi32>
    %iota3A_142 = tpu.iota {dimensions = array<i32: 1>} : vector<8x128xi32>
    %broadcast_in_dim3A_143 = arith.constant 1.000000e+00 : f32
    %broadcast_in_dim3A_144 = vector.broadcast %broadcast_in_dim3A_143 : f32 to vector<32x32xf32>
    %broadcast_in_dim3A_145 = arith.constant 0xFF800000 : f32
    %broadcast_in_dim3A_146 = vector.broadcast %broadcast_in_dim3A_145 : f32 to vector<8x128xf32>
    %broadcast_in_dim3A_147 = arith.constant 0.000000e+00 : f32
    %broadcast_in_dim3A_148 = vector.broadcast %broadcast_in_dim3A_147 : f32 to vector<8x128xf32>
    %scan3A = arith.constant 0 : i32
    %scan3A_149 = arith.constant 32 : i32
    %scan3A_150 = arith.addi %scan3A, %scan3A_149 : i32
    %scan3A_151 = arith.constant 1 : i32
    %scan3A_152:3 = scf.for %scan3A_431 = %scan3A to %scan3A_150 step %scan3A_151 iter_args(%scan3A_432 = %broadcast_in_dim3A_144, %scan3A_433 = %broadcast_in_dim3A_146, %scan3A_434 = %broadcast_in_dim3A_148) -> (vector<32x32xf32>, vector<8x128xf32>, vector<8x128xf32>)  : i32 {
      %gt3A_435 = arith.constant 0.000000e+00 : f32
      %gt3A_436 = vector.broadcast %gt3A_435 : f32 to vector<32x32xf32>
      %gt3A_437 = arith.cmpf ogt, %scan3A_432, %gt3A_436 : vector<32x32xf32>
      %jit3A_438 = arith.constant 0xFF800000 : f32
      %broadcast_in_dim3A_439 = vector.broadcast %jit3A_438 : f32 to vector<32x32xf32>
      %select_n3A_440 = arith.select %gt3A_437, %get3A_134, %broadcast_in_dim3A_439 : vector<32x32xi1>, vector<32x32xf32>
      %reduce_max3A = vector.shape_cast %select_n3A_440 : vector<32x32xf32> to vector<1x32x32xf32>
      %reduce_max3A_441 = arith.constant dense<0xFF800000> : vector<1xf32>
      %reduce_max3A_442 = vector.multi_reduction <maximumf>, %reduce_max3A, %reduce_max3A_441 [1, 2] : vector<1x32x32xf32> to vector<1xf32>
      %reduce_max3A_443 = vector.shape_cast %reduce_max3A_442 : vector<1xf32> to vector<1x1x1xf32>
      %reduce_max3A_444 = vector.extract %reduce_max3A_443[0, 0, 0] : f32 from vector<1x1x1xf32>
      %eq3A_445 = vector.broadcast %reduce_max3A_444 : f32 to vector<32x32xf32>
      %eq3A_446 = arith.cmpf oeq, %select_n3A_440, %eq3A_445 : vector<32x32xf32>
      %jit3A_447 = arith.constant 1073741824 : i32
      %broadcast_in_dim3A_448 = vector.broadcast %jit3A_447 : i32 to vector<32x32xi32>
      %select_n3A_449 = arith.select %eq3A_446, %add3A, %broadcast_in_dim3A_448 : vector<32x32xi1>, vector<32x32xi32>
      %reduce_min3A = vector.shape_cast %select_n3A_449 : vector<32x32xi32> to vector<1x32x32xi32>
      %reduce_min3A_450 = arith.constant dense<2147483647> : vector<1xi32>
      %reduce_min3A_451 = vector.multi_reduction <minsi>, %reduce_min3A, %reduce_min3A_450 [1, 2] : vector<1x32x32xi32> to vector<1xi32>
      %reduce_min3A_452 = vector.shape_cast %reduce_min3A_451 : vector<1xi32> to vector<1x1x1xi32>
      %reduce_min3A_453 = vector.extract %reduce_min3A_452[0, 0, 0] : i32 from vector<1x1x1xi32>
      %eq3A_454 = vector.broadcast %reduce_min3A_453 : i32 to vector<32x32xi32>
      %eq3A_455 = arith.cmpi eq, %add3A, %eq3A_454 : vector<32x32xi32>
      %jit3A_456 = arith.constant 0.000000e+00 : f32
      %broadcast_in_dim3A_457 = vector.broadcast %jit3A_456 : f32 to vector<32x32xf32>
      %select_n3A_458 = arith.select %eq3A_455, %get3A_137, %broadcast_in_dim3A_457 : vector<32x32xi1>, vector<32x32xf32>
      %reduce_sum3A_459 = vector.shape_cast %select_n3A_458 : vector<32x32xf32> to vector<1x32x32xf32>
      %reduce_sum3A_460 = arith.constant dense<0.000000e+00> : vector<1xf32>
      %reduce_sum3A_461 = vector.multi_reduction <add>, %reduce_sum3A_459, %reduce_sum3A_460 [1, 2] : vector<1x32x32xf32> to vector<1xf32>
      %reduce_sum3A_462 = vector.shape_cast %reduce_sum3A_461 : vector<1xf32> to vector<1x1x1xf32>
      %reduce_sum3A_463 = vector.extract %reduce_sum3A_462[0, 0, 0] : f32 from vector<1x1x1xf32>
      %eq3A_464 = vector.broadcast %reduce_min3A_453 : i32 to vector<32x32xi32>
      %eq3A_465 = arith.cmpi eq, %add3A, %eq3A_464 : vector<32x32xi32>
      %jit3A_466 = arith.constant 0.000000e+00 : f32
      %broadcast_in_dim3A_467 = vector.broadcast %jit3A_466 : f32 to vector<32x32xf32>
      %select_n3A_468 = arith.select %eq3A_465, %broadcast_in_dim3A_467, %scan3A_432 : vector<32x32xi1>, vector<32x32xf32>
      %eq3A_469 = vector.broadcast %scan3A_431 : i32 to vector<8x128xi32>
      %eq3A_470 = arith.cmpi eq, %iota3A_142, %eq3A_469 : vector<8x128xi32>
      %broadcast_in_dim3A_471 = vector.broadcast %reduce_max3A_444 : f32 to vector<8x128xf32>
      %select_n3A_472 = arith.select %eq3A_470, %broadcast_in_dim3A_471, %scan3A_433 : vector<8x128xi1>, vector<8x128xf32>
      %eq3A_473 = vector.broadcast %scan3A_431 : i32 to vector<8x128xi32>
      %eq3A_474 = arith.cmpi eq, %iota3A_142, %eq3A_473 : vector<8x128xi32>
      %broadcast_in_dim3A_475 = vector.broadcast %reduce_sum3A_463 : f32 to vector<8x128xf32>
      %select_n3A_476 = arith.select %eq3A_474, %broadcast_in_dim3A_475, %scan3A_434 : vector<8x128xi1>, vector<8x128xf32>
      scf.yield %select_n3A_468, %select_n3A_472, %select_n3A_476 : vector<32x32xf32>, vector<8x128xf32>, vector<8x128xf32>
    }
    %scan3A_153 = arith.constant 32 : i32
    %min3A = arith.constant 3.200000e+01 : f32
    %min3A_154 = arith.minimumf %min3A, %reduce_sum3A_26 : f32
    %convert_element_type3A = arith.sitofp %iota3A_142 : vector<8x128xi32> to vector<8x128xf32>
    %lt3A = vector.broadcast %min3A_154 : f32 to vector<8x128xf32>
    %lt3A_155 = arith.cmpf olt, %convert_element_type3A, %lt3A : vector<8x128xf32>
    %lt3A_156 = arith.constant 32 : i32
    %lt3A_157 = vector.broadcast %lt3A_156 : i32 to vector<8x128xi32>
    %lt3A_158 = arith.cmpi slt, %iota3A_142, %lt3A_157 : vector<8x128xi32>
    %and3A_159 = arith.andi %lt3A_155, %lt3A_158 : vector<8x128xi1>
    %eq3A_160 = arith.constant 0 : i32
    %eq3A_161 = vector.broadcast %eq3A_160 : i32 to vector<8x128xi32>
    %eq3A_162 = arith.cmpi eq, %iota3A, %eq3A_161 : vector<8x128xi32>
    %and3A_163 = arith.andi %and3A_159, %eq3A_162 : vector<8x128xi1>
    %logistic3A = arith.negf %scan3A_152#1 : vector<8x128xf32>
    %logistic3A_164 = math.exp %logistic3A : vector<8x128xf32>
    %logistic3A_165 = arith.constant 1.000000e+00 : f32
    %logistic3A_166 = vector.broadcast %logistic3A_165 : f32 to vector<8x128xf32>
    %logistic3A_167 = arith.addf %logistic3A_166, %logistic3A_164 : vector<8x128xf32>
    %logistic3A_168 = arith.divf %logistic3A_166, %logistic3A_167 : vector<8x128xf32>
    %add3A_169 = arith.constant 1.000000e+00 : f32
    %add3A_170 = vector.broadcast %add3A_169 : f32 to vector<8x128xf32>
    %add3A_171 = arith.addf %scan3A_152#2, %add3A_170 : vector<8x128xf32>
    %eq3A_172 = arith.constant 1.000000e+00 : f32
    %eq3A_173 = vector.broadcast %eq3A_172 : f32 to vector<8x128xf32>
    %eq3A_174 = arith.cmpf oeq, %add3A_171, %eq3A_173 : vector<8x128xf32>
    %jit3A_175 = arith.constant 2.500000e-01 : f32
    %jit3A_176 = arith.constant 7.500000e-01 : f32
    %broadcast_in_dim3A_177 = vector.broadcast %jit3A_175 : f32 to vector<8x128xf32>
    %broadcast_in_dim3A_178 = vector.broadcast %jit3A_176 : f32 to vector<8x128xf32>
    %select_n3A_179 = arith.select %eq3A_174, %broadcast_in_dim3A_177, %broadcast_in_dim3A_178 : vector<8x128xi1>, vector<8x128xf32>
    %eq3A_180 = arith.constant 1.000000e+00 : f32
    %eq3A_181 = vector.broadcast %eq3A_180 : f32 to vector<8x128xf32>
    %eq3A_182 = arith.cmpf oeq, %add3A_171, %eq3A_181 : vector<8x128xf32>
    %sub3A = arith.constant 1.000000e+00 : f32
    %sub3A_183 = vector.broadcast %sub3A : f32 to vector<8x128xf32>
    %sub3A_184 = arith.subf %sub3A_183, %logistic3A_168 : vector<8x128xf32>
    %select_n3A_185 = arith.select %eq3A_182, %logistic3A_168, %sub3A_184 : vector<8x128xi1>, vector<8x128xf32>
    %log3A = math.log %logistic3A_168 : vector<8x128xf32>
    %max3A = arith.constant -1.000000e+02 : f32
    %max3A_186 = vector.broadcast %max3A : f32 to vector<8x128xf32>
    %max3A_187 = arith.maximumf %log3A, %max3A_186 : vector<8x128xf32>
    %sub3A_188 = arith.constant 1.000000e+00 : f32
    %sub3A_189 = vector.broadcast %sub3A_188 : f32 to vector<8x128xf32>
    %sub3A_190 = arith.subf %sub3A_189, %logistic3A_168 : vector<8x128xf32>
    %log3A_191 = math.log %sub3A_190 : vector<8x128xf32>
    %max3A_192 = arith.constant -1.000000e+02 : f32
    %max3A_193 = vector.broadcast %max3A_192 : f32 to vector<8x128xf32>
    %max3A_194 = arith.maximumf %log3A_191, %max3A_193 : vector<8x128xf32>
    %mul3A_195 = arith.mulf %add3A_171, %max3A_187 : vector<8x128xf32>
    %sub3A_196 = arith.constant 1.000000e+00 : f32
    %sub3A_197 = vector.broadcast %sub3A_196 : f32 to vector<8x128xf32>
    %sub3A_198 = arith.subf %sub3A_197, %add3A_171 : vector<8x128xf32>
    %mul3A_199 = arith.mulf %sub3A_198, %max3A_194 : vector<8x128xf32>
    %add3A_200 = arith.addf %mul3A_195, %mul3A_199 : vector<8x128xf32>
    %neg3A = arith.constant 0.000000e+00 : f32
    %neg3A_201 = vector.broadcast %neg3A : f32 to vector<8x128xf32>
    %neg3A_202 = arith.subf %neg3A_201, %add3A_200 : vector<8x128xf32>
    %sub3A_203 = arith.constant 1.000000e+00 : f32
    %sub3A_204 = vector.broadcast %sub3A_203 : f32 to vector<8x128xf32>
    %sub3A_205 = arith.subf %sub3A_204, %select_n3A_185 : vector<8x128xf32>
    %mul3A_206 = arith.mulf %select_n3A_179, %sub3A_205 : vector<8x128xf32>
    %mul3A_207 = arith.mulf %mul3A_206, %sub3A_205 : vector<8x128xf32>
    %mul3A_208 = arith.mulf %mul3A_207, %neg3A_202 : vector<8x128xf32>
    %jit3A_209 = arith.constant 0.000000e+00 : f32
    %broadcast_in_dim3A_210 = vector.broadcast %jit3A_209 : f32 to vector<8x128xf32>
    %select_n3A_211 = arith.select %and3A_163, %mul3A_208, %broadcast_in_dim3A_210 : vector<8x128xi1>, vector<8x128xf32>
    %reduce_sum3A_212 = vector.shape_cast %select_n3A_211 : vector<8x128xf32> to vector<1x8x128xf32>
    %reduce_sum3A_213 = arith.constant dense<0.000000e+00> : vector<1xf32>
    %reduce_sum3A_214 = vector.multi_reduction <add>, %reduce_sum3A_212, %reduce_sum3A_213 [1, 2] : vector<1x8x128xf32> to vector<1xf32>
    %reduce_sum3A_215 = vector.shape_cast %reduce_sum3A_214 : vector<1xf32> to vector<1x1x1xf32>
    %reduce_sum3A_216 = vector.extract %reduce_sum3A_215[0, 0, 0] : f32 from vector<1x1x1xf32>
    %div3A = arith.divf %reduce_sum3A_216, %min3A_154 : f32
    %div3A_217 = arith.divf %reduce_sum3A_101, %reduce_sum3A_11 : f32
    %gt3A = arith.constant 0.000000e+00 : f32
    %gt3A_218 = arith.cmpf ogt, %reduce_sum3A_11, %gt3A : f32
    %mul3A_219 = arith.constant 5.000000e-01 : f32
    %mul3A_220 = arith.mulf %mul3A_219, %div3A_217 : f32
    %mul3A_221 = arith.constant 5.000000e-01 : f32
    %mul3A_222 = arith.mulf %mul3A_221, %div3A : f32
    %add3A_223 = arith.addf %mul3A_220, %mul3A_222 : f32
    %mul3A_224 = arith.constant 5.000000e-01 : f32
    %mul3A_225 = arith.mulf %mul3A_224, %div3A : f32
    %select_n3A_226 = arith.select %gt3A_218, %add3A_223, %mul3A_225 : f32
    %gt3A_227 = arith.constant 0.000000e+00 : f32
    %gt3A_228 = arith.cmpf ogt, %reduce_sum3A_11, %gt3A_227 : f32
    %div3A_229 = arith.divf %reduce_sum3A_41, %reduce_sum3A_11 : f32
    %jit3A_230 = arith.constant 0.000000e+00 : f32
    %select_n3A_231 = arith.select %gt3A_228, %div3A_229, %jit3A_230 : f32
    %gt3A_232 = arith.constant 0.000000e+00 : f32
    %gt3A_233 = arith.cmpf ogt, %reduce_sum3A_11, %gt3A_232 : f32
    %div3A_234 = arith.divf %reduce_sum3A_56, %reduce_sum3A_11 : f32
    %jit3A_235 = arith.constant 0.000000e+00 : f32
    %select_n3A_236 = arith.select %gt3A_233, %div3A_234, %jit3A_235 : f32
    %gt3A_237 = arith.constant 0.000000e+00 : f32
    %gt3A_238 = arith.cmpf ogt, %reduce_sum3A_11, %gt3A_237 : f32
    %div3A_239 = arith.divf %reduce_sum3A_71, %reduce_sum3A_11 : f32
    %jit3A_240 = arith.constant 0.000000e+00 : f32
    %select_n3A_241 = arith.select %gt3A_238, %div3A_239, %jit3A_240 : f32
    %gt3A_242 = arith.constant 0.000000e+00 : f32
    %gt3A_243 = arith.cmpf ogt, %reduce_sum3A_11, %gt3A_242 : f32
    %div3A_244 = arith.divf %reduce_sum3A_86, %reduce_sum3A_11 : f32
    %jit3A_245 = arith.constant 0.000000e+00 : f32
    %select_n3A_246 = arith.select %gt3A_243, %div3A_244, %jit3A_245 : f32
    %add3A_247 = arith.addf %select_n3A_226, %select_n3A_231 : f32
    %add3A_248 = arith.addf %add3A_247, %select_n3A_236 : f32
    %add3A_249 = arith.addf %add3A_248, %select_n3A_241 : f32
    %add3A_250 = arith.addf %add3A_249, %select_n3A_246 : f32
    %lt3A_251 = arith.constant 5.000000e-01 : f32
    %lt3A_252 = vector.broadcast %lt3A_251 : f32 to vector<8x128xf32>
    %lt3A_253 = arith.cmpf olt, %logistic3A_168, %lt3A_252 : vector<8x128xf32>
    %and3A_254 = arith.andi %and3A_163, %lt3A_253 : vector<8x128xi1>
    %jit3A_255 = arith.constant 1.000000e+00 : f32
    %jit3A_256 = arith.constant 0.000000e+00 : f32
    %broadcast_in_dim3A_257 = vector.broadcast %jit3A_255 : f32 to vector<8x128xf32>
    %broadcast_in_dim3A_258 = vector.broadcast %jit3A_256 : f32 to vector<8x128xf32>
    %select_n3A_259 = arith.select %and3A_254, %broadcast_in_dim3A_257, %broadcast_in_dim3A_258 : vector<8x128xi1>, vector<8x128xf32>
    %reduce_sum3A_260 = vector.shape_cast %select_n3A_259 : vector<8x128xf32> to vector<1x8x128xf32>
    %reduce_sum3A_261 = arith.constant dense<0.000000e+00> : vector<1xf32>
    %reduce_sum3A_262 = vector.multi_reduction <add>, %reduce_sum3A_260, %reduce_sum3A_261 [1, 2] : vector<1x8x128xf32> to vector<1xf32>
    %reduce_sum3A_263 = vector.shape_cast %reduce_sum3A_262 : vector<1xf32> to vector<1x1x1xf32>
    %reduce_sum3A_264 = vector.extract %reduce_sum3A_263[0, 0, 0] : f32 from vector<1x1x1xf32>
    %gt3A_265 = arith.constant 5.000000e-01 : f32
    %gt3A_266 = vector.broadcast %gt3A_265 : f32 to vector<8x128xf32>
    %gt3A_267 = arith.cmpf ogt, %logistic3A_168, %gt3A_266 : vector<8x128xf32>
    %and3A_268 = arith.andi %and3A_163, %gt3A_267 : vector<8x128xi1>
    %lt3A_269 = arith.constant 0.699999988 : f32
    %lt3A_270 = vector.broadcast %lt3A_269 : f32 to vector<8x128xf32>
    %lt3A_271 = arith.cmpf olt, %logistic3A_168, %lt3A_270 : vector<8x128xf32>
    %and3A_272 = arith.andi %and3A_268, %lt3A_271 : vector<8x128xi1>
    %jit3A_273 = arith.constant 1.000000e+00 : f32
    %jit3A_274 = arith.constant 0.000000e+00 : f32
    %broadcast_in_dim3A_275 = vector.broadcast %jit3A_273 : f32 to vector<8x128xf32>
    %broadcast_in_dim3A_276 = vector.broadcast %jit3A_274 : f32 to vector<8x128xf32>
    %select_n3A_277 = arith.select %and3A_272, %broadcast_in_dim3A_275, %broadcast_in_dim3A_276 : vector<8x128xi1>, vector<8x128xf32>
    %reduce_sum3A_278 = vector.shape_cast %select_n3A_277 : vector<8x128xf32> to vector<1x8x128xf32>
    %reduce_sum3A_279 = arith.constant dense<0.000000e+00> : vector<1xf32>
    %reduce_sum3A_280 = vector.multi_reduction <add>, %reduce_sum3A_278, %reduce_sum3A_279 [1, 2] : vector<1x8x128xf32> to vector<1xf32>
    %reduce_sum3A_281 = vector.shape_cast %reduce_sum3A_280 : vector<1xf32> to vector<1x1x1xf32>
    %reduce_sum3A_282 = vector.extract %reduce_sum3A_281[0, 0, 0] : f32 from vector<1x1x1xf32>
    %broadcast_in_dim3A_283 = arith.constant 0.000000e+00 : f32
    %broadcast_in_dim3A_284 = vector.broadcast %broadcast_in_dim3A_283 : f32 to vector<8x128xf32>
    %eq3A_285 = arith.constant 0 : i32
    %eq3A_286 = vector.broadcast %eq3A_285 : i32 to vector<8x128xi32>
    %eq3A_287 = arith.cmpi eq, %iota3A, %eq3A_286 : vector<8x128xi32>
    %eq3A_288 = arith.constant 0 : i32
    %eq3A_289 = vector.broadcast %eq3A_288 : i32 to vector<8x128xi32>
    %eq3A_290 = arith.cmpi eq, %iota3A_2, %eq3A_289 : vector<8x128xi32>
    %and3A_291 = arith.andi %eq3A_287, %eq3A_290 : vector<8x128xi1>
    %jit3A_292 = arith.constant 0.000000e+00 : f32
    %broadcast_in_dim3A_293 = vector.broadcast %add3A_250 : f32 to vector<8x128xf32>
    %broadcast_in_dim3A_294 = vector.broadcast %jit3A_292 : f32 to vector<8x128xf32>
    %select_n3A_295 = arith.select %and3A_291, %broadcast_in_dim3A_293, %broadcast_in_dim3A_294 : vector<8x128xi1>, vector<8x128xf32>
    %add3A_296 = arith.addf %broadcast_in_dim3A_284, %select_n3A_295 : vector<8x128xf32>
    %eq3A_297 = arith.constant 0 : i32
    %eq3A_298 = vector.broadcast %eq3A_297 : i32 to vector<8x128xi32>
    %eq3A_299 = arith.cmpi eq, %iota3A, %eq3A_298 : vector<8x128xi32>
    %eq3A_300 = arith.constant 1 : i32
    %eq3A_301 = vector.broadcast %eq3A_300 : i32 to vector<8x128xi32>
    %eq3A_302 = arith.cmpi eq, %iota3A_2, %eq3A_301 : vector<8x128xi32>
    %and3A_303 = arith.andi %eq3A_299, %eq3A_302 : vector<8x128xi1>
    %jit3A_304 = arith.constant 0.000000e+00 : f32
    %broadcast_in_dim3A_305 = vector.broadcast %select_n3A_226 : f32 to vector<8x128xf32>
    %broadcast_in_dim3A_306 = vector.broadcast %jit3A_304 : f32 to vector<8x128xf32>
    %select_n3A_307 = arith.select %and3A_303, %broadcast_in_dim3A_305, %broadcast_in_dim3A_306 : vector<8x128xi1>, vector<8x128xf32>
    %add3A_308 = arith.addf %add3A_296, %select_n3A_307 : vector<8x128xf32>
    %eq3A_309 = arith.constant 0 : i32
    %eq3A_310 = vector.broadcast %eq3A_309 : i32 to vector<8x128xi32>
    %eq3A_311 = arith.cmpi eq, %iota3A, %eq3A_310 : vector<8x128xi32>
    %eq3A_312 = arith.constant 2 : i32
    %eq3A_313 = vector.broadcast %eq3A_312 : i32 to vector<8x128xi32>
    %eq3A_314 = arith.cmpi eq, %iota3A_2, %eq3A_313 : vector<8x128xi32>
    %and3A_315 = arith.andi %eq3A_311, %eq3A_314 : vector<8x128xi1>
    %jit3A_316 = arith.constant 0.000000e+00 : f32
    %broadcast_in_dim3A_317 = vector.broadcast %select_n3A_231 : f32 to vector<8x128xf32>
    %broadcast_in_dim3A_318 = vector.broadcast %jit3A_316 : f32 to vector<8x128xf32>
    %select_n3A_319 = arith.select %and3A_315, %broadcast_in_dim3A_317, %broadcast_in_dim3A_318 : vector<8x128xi1>, vector<8x128xf32>
    %add3A_320 = arith.addf %add3A_308, %select_n3A_319 : vector<8x128xf32>
    %eq3A_321 = arith.constant 0 : i32
    %eq3A_322 = vector.broadcast %eq3A_321 : i32 to vector<8x128xi32>
    %eq3A_323 = arith.cmpi eq, %iota3A, %eq3A_322 : vector<8x128xi32>
    %eq3A_324 = arith.constant 3 : i32
    %eq3A_325 = vector.broadcast %eq3A_324 : i32 to vector<8x128xi32>
    %eq3A_326 = arith.cmpi eq, %iota3A_2, %eq3A_325 : vector<8x128xi32>
    %and3A_327 = arith.andi %eq3A_323, %eq3A_326 : vector<8x128xi1>
    %jit3A_328 = arith.constant 0.000000e+00 : f32
    %broadcast_in_dim3A_329 = vector.broadcast %select_n3A_236 : f32 to vector<8x128xf32>
    %broadcast_in_dim3A_330 = vector.broadcast %jit3A_328 : f32 to vector<8x128xf32>
    %select_n3A_331 = arith.select %and3A_327, %broadcast_in_dim3A_329, %broadcast_in_dim3A_330 : vector<8x128xi1>, vector<8x128xf32>
    %add3A_332 = arith.addf %add3A_320, %select_n3A_331 : vector<8x128xf32>
    %eq3A_333 = arith.constant 0 : i32
    %eq3A_334 = vector.broadcast %eq3A_333 : i32 to vector<8x128xi32>
    %eq3A_335 = arith.cmpi eq, %iota3A, %eq3A_334 : vector<8x128xi32>
    %eq3A_336 = arith.constant 4 : i32
    %eq3A_337 = vector.broadcast %eq3A_336 : i32 to vector<8x128xi32>
    %eq3A_338 = arith.cmpi eq, %iota3A_2, %eq3A_337 : vector<8x128xi32>
    %and3A_339 = arith.andi %eq3A_335, %eq3A_338 : vector<8x128xi1>
    %jit3A_340 = arith.constant 0.000000e+00 : f32
    %broadcast_in_dim3A_341 = vector.broadcast %select_n3A_241 : f32 to vector<8x128xf32>
    %broadcast_in_dim3A_342 = vector.broadcast %jit3A_340 : f32 to vector<8x128xf32>
    %select_n3A_343 = arith.select %and3A_339, %broadcast_in_dim3A_341, %broadcast_in_dim3A_342 : vector<8x128xi1>, vector<8x128xf32>
    %add3A_344 = arith.addf %add3A_332, %select_n3A_343 : vector<8x128xf32>
    %eq3A_345 = arith.constant 0 : i32
    %eq3A_346 = vector.broadcast %eq3A_345 : i32 to vector<8x128xi32>
    %eq3A_347 = arith.cmpi eq, %iota3A, %eq3A_346 : vector<8x128xi32>
    %eq3A_348 = arith.constant 5 : i32
    %eq3A_349 = vector.broadcast %eq3A_348 : i32 to vector<8x128xi32>
    %eq3A_350 = arith.cmpi eq, %iota3A_2, %eq3A_349 : vector<8x128xi32>
    %and3A_351 = arith.andi %eq3A_347, %eq3A_350 : vector<8x128xi1>
    %jit3A_352 = arith.constant 0.000000e+00 : f32
    %broadcast_in_dim3A_353 = vector.broadcast %select_n3A_246 : f32 to vector<8x128xf32>
    %broadcast_in_dim3A_354 = vector.broadcast %jit3A_352 : f32 to vector<8x128xf32>
    %select_n3A_355 = arith.select %and3A_351, %broadcast_in_dim3A_353, %broadcast_in_dim3A_354 : vector<8x128xi1>, vector<8x128xf32>
    %add3A_356 = arith.addf %add3A_344, %select_n3A_355 : vector<8x128xf32>
    %eq3A_357 = arith.constant 0 : i32
    %eq3A_358 = vector.broadcast %eq3A_357 : i32 to vector<8x128xi32>
    %eq3A_359 = arith.cmpi eq, %iota3A, %eq3A_358 : vector<8x128xi32>
    %eq3A_360 = arith.constant 6 : i32
    %eq3A_361 = vector.broadcast %eq3A_360 : i32 to vector<8x128xi32>
    %eq3A_362 = arith.cmpi eq, %iota3A_2, %eq3A_361 : vector<8x128xi32>
    %and3A_363 = arith.andi %eq3A_359, %eq3A_362 : vector<8x128xi1>
    %jit3A_364 = arith.constant 0.000000e+00 : f32
    %broadcast_in_dim3A_365 = vector.broadcast %reduce_sum3A_116 : f32 to vector<8x128xf32>
    %broadcast_in_dim3A_366 = vector.broadcast %jit3A_364 : f32 to vector<8x128xf32>
    %select_n3A_367 = arith.select %and3A_363, %broadcast_in_dim3A_365, %broadcast_in_dim3A_366 : vector<8x128xi1>, vector<8x128xf32>
    %add3A_368 = arith.addf %add3A_356, %select_n3A_367 : vector<8x128xf32>
    %eq3A_369 = arith.constant 0 : i32
    %eq3A_370 = vector.broadcast %eq3A_369 : i32 to vector<8x128xi32>
    %eq3A_371 = arith.cmpi eq, %iota3A, %eq3A_370 : vector<8x128xi32>
    %eq3A_372 = arith.constant 7 : i32
    %eq3A_373 = vector.broadcast %eq3A_372 : i32 to vector<8x128xi32>
    %eq3A_374 = arith.cmpi eq, %iota3A_2, %eq3A_373 : vector<8x128xi32>
    %and3A_375 = arith.andi %eq3A_371, %eq3A_374 : vector<8x128xi1>
    %jit3A_376 = arith.constant 0.000000e+00 : f32
    %broadcast_in_dim3A_377 = vector.broadcast %reduce_sum3A_11 : f32 to vector<8x128xf32>
    %broadcast_in_dim3A_378 = vector.broadcast %jit3A_376 : f32 to vector<8x128xf32>
    %select_n3A_379 = arith.select %and3A_375, %broadcast_in_dim3A_377, %broadcast_in_dim3A_378 : vector<8x128xi1>, vector<8x128xf32>
    %add3A_380 = arith.addf %add3A_368, %select_n3A_379 : vector<8x128xf32>
    %eq3A_381 = arith.constant 0 : i32
    %eq3A_382 = vector.broadcast %eq3A_381 : i32 to vector<8x128xi32>
    %eq3A_383 = arith.cmpi eq, %iota3A, %eq3A_382 : vector<8x128xi32>
    %eq3A_384 = arith.constant 8 : i32
    %eq3A_385 = vector.broadcast %eq3A_384 : i32 to vector<8x128xi32>
    %eq3A_386 = arith.cmpi eq, %iota3A_2, %eq3A_385 : vector<8x128xi32>
    %and3A_387 = arith.andi %eq3A_383, %eq3A_386 : vector<8x128xi1>
    %jit3A_388 = arith.constant 0.000000e+00 : f32
    %broadcast_in_dim3A_389 = vector.broadcast %reduce_sum3A_264 : f32 to vector<8x128xf32>
    %broadcast_in_dim3A_390 = vector.broadcast %jit3A_388 : f32 to vector<8x128xf32>
    %select_n3A_391 = arith.select %and3A_387, %broadcast_in_dim3A_389, %broadcast_in_dim3A_390 : vector<8x128xi1>, vector<8x128xf32>
    %add3A_392 = arith.addf %add3A_380, %select_n3A_391 : vector<8x128xf32>
    %eq3A_393 = arith.constant 0 : i32
    %eq3A_394 = vector.broadcast %eq3A_393 : i32 to vector<8x128xi32>
    %eq3A_395 = arith.cmpi eq, %iota3A, %eq3A_394 : vector<8x128xi32>
    %eq3A_396 = arith.constant 9 : i32
    %eq3A_397 = vector.broadcast %eq3A_396 : i32 to vector<8x128xi32>
    %eq3A_398 = arith.cmpi eq, %iota3A_2, %eq3A_397 : vector<8x128xi32>
    %and3A_399 = arith.andi %eq3A_395, %eq3A_398 : vector<8x128xi1>
    %jit3A_400 = arith.constant 0.000000e+00 : f32
    %broadcast_in_dim3A_401 = vector.broadcast %min3A_154 : f32 to vector<8x128xf32>
    %broadcast_in_dim3A_402 = vector.broadcast %jit3A_400 : f32 to vector<8x128xf32>
    %select_n3A_403 = arith.select %and3A_399, %broadcast_in_dim3A_401, %broadcast_in_dim3A_402 : vector<8x128xi1>, vector<8x128xf32>
    %add3A_404 = arith.addf %add3A_392, %select_n3A_403 : vector<8x128xf32>
    %eq3A_405 = arith.constant 0 : i32
    %eq3A_406 = vector.broadcast %eq3A_405 : i32 to vector<8x128xi32>
    %eq3A_407 = arith.cmpi eq, %iota3A, %eq3A_406 : vector<8x128xi32>
    %eq3A_408 = arith.constant 10 : i32
    %eq3A_409 = vector.broadcast %eq3A_408 : i32 to vector<8x128xi32>
    %eq3A_410 = arith.cmpi eq, %iota3A_2, %eq3A_409 : vector<8x128xi32>
    %and3A_411 = arith.andi %eq3A_407, %eq3A_410 : vector<8x128xi1>
    %jit3A_412 = arith.constant 0.000000e+00 : f32
    %broadcast_in_dim3A_413 = vector.broadcast %reduce_sum3A_131 : f32 to vector<8x128xf32>
    %broadcast_in_dim3A_414 = vector.broadcast %jit3A_412 : f32 to vector<8x128xf32>
    %select_n3A_415 = arith.select %and3A_411, %broadcast_in_dim3A_413, %broadcast_in_dim3A_414 : vector<8x128xi1>, vector<8x128xf32>
    %add3A_416 = arith.addf %add3A_404, %select_n3A_415 : vector<8x128xf32>
    %eq3A_417 = arith.constant 0 : i32
    %eq3A_418 = vector.broadcast %eq3A_417 : i32 to vector<8x128xi32>
    %eq3A_419 = arith.cmpi eq, %iota3A, %eq3A_418 : vector<8x128xi32>
    %eq3A_420 = arith.constant 11 : i32
    %eq3A_421 = vector.broadcast %eq3A_420 : i32 to vector<8x128xi32>
    %eq3A_422 = arith.cmpi eq, %iota3A_2, %eq3A_421 : vector<8x128xi32>
    %and3A_423 = arith.andi %eq3A_419, %eq3A_422 : vector<8x128xi1>
    %jit3A_424 = arith.constant 0.000000e+00 : f32
    %broadcast_in_dim3A_425 = vector.broadcast %reduce_sum3A_282 : f32 to vector<8x128xf32>
    %broadcast_in_dim3A_426 = vector.broadcast %jit3A_424 : f32 to vector<8x128xf32>
    %select_n3A_427 = arith.select %and3A_423, %broadcast_in_dim3A_425, %broadcast_in_dim3A_426 : vector<8x128xi1>, vector<8x128xf32>
    %add3A_428 = arith.addf %add3A_416, %select_n3A_427 : vector<8x128xf32>
    %swap3A = arith.constant 0 : index
    %swap3A_429 = arith.constant 0 : index
    %swap3A_430 = vector.load %arg3[%swap3A, %swap3A_429] : memref<8x128xf32, #tpu.memory_space<vmem>>, vector<8x128xf32>
    tpu.vector_store %arg3[%swap3A, %swap3A_429], %add3A_428 {strides = array<i32>} : memref<8x128xf32, #tpu.memory_space<vmem>>, vector<8x128xf32>,
    return
  }
}

</mosaic_0001>

<sc_bundles>
// kernel: kernel.5.cloned.1.call-start
scs
__scs_entry_jumppad:
0x0: {  	(pc) =	sbr.rel $0x88, $3  }
0x1: {  	(tag) =	ssettag $0x0;
	lr =	simm.s32 $0x1  }
0x2: {  	[smem:$0x3F9F] =	sst lr;
	_ =	strace $0xD0000000  }
0x3: {  	_ = 	snop  }
0x4: {  	_ = 	snop  }
0x5: {  	_ = 	snop  }
0x6: {  	_ = 	snop  }
0x7: {  	_ = 	snop  }
__scs_overlays_trampoline_lowered:
0x8: {  	[smem:$0x3FAE] =	sst s0  }
0x9: {  	[smem:$0x3FAF] =	sst s1  }
0xa: {  	[smem:$0x3FB0] =	sst s2  }
0xb: {  	[smem:$0x3FB1] =	sst s3  }
0xc: {  	[smem:$0x3FB2] =	sst s4  }
0xd: {  	[smem:$0x3FB3] =	sst s5  }
0xe: {  	[smem:$0x3FB4] =	sst s6  }
0xf: {  	[smem:$0x3FB5] =	sst s7  }
0x10: {  	[smem:$0x3FB6] =	sst s8  }
0x11: {  	[smem:$0x3FB7] =	sst s9;
	s0 =	simm.s32 @!p0 $0x0  }
0x12: {  	s1 =	sld [smem:$0x3F9D];
	s0 =	simm.s32 @p0 $0x1  }
0x13: {  	[smem:$0x3FB8] =	sst s0;
	s0 =	simm.s32 @!p1 $0x0  }
0x14: {  	s2 =	sld [smem:$0x3F9C];
	s0 =	simm.s32 @p1 $0x1  }
0x15: {  	[smem:$0x3FB9] =	sst s0;
	s0 =	simm.s32 @!p2 $0x0  }
0x16: {  	s3 =	sld [smem:$0x3FDB];
	s0 =	simm.s32 @p2 $0x1  }
0x17: {  	s4 =	simm.s32 $0x1BF5;
	[smem:$0x3FBB] =	sst s0  }
0x18: {  	s0 =	sld [smem:$0x3F9E];
	_ =	swait.ge [sflag:s4], $0x0  }
0x19: {  	s7 =	sld [smem:$0x3F9F]  }
0x1a: {  	s8 =	sadd.s32 $0xFFFFE003, lr  }
0x1b: {  	s9 =	sadd.s32 $0xFFFFFEF7, lr;
	s5 =	simm.s32 $0xFFFFFFFF;
	p2 =	slt.u32 s8, $0xFFFFF086  }
0x1c: {  	p1 =	slt.u32 s9, $0xF7A;
	s5 =	simm.s32 @!p2 $0x0  }
0x1d: {  	s5 =	simm.s32 @p1 $0x1;
	p0 =	seq.s32 s7, s2  }
0x1e: {  	s7 =	smul.u32 @!p0 $0xF7A, s2;
	p2 =	seq.s32 @!p0 s5, $0x0  }
0x1f: {  	s9 =	smul.u32 $0xF7A, s1;
	s8 =	simm.s32 @!p0 $0x1BF5;
	p2 =	por !p2, p0  }
0x20: {  	[sflag:s8] =	ssyncset.s32 @!p0 $0xFFFFF086;
	s6 =	sadd.s32 @!p0 s3, s7;
	s7 =	simm.s32 @!p0 $0x108  }
0x21: {  	s3 =	sadd.s32 s3, s9;
	s6 =	sadd.s32 @!p0 $0x88, s6;
	s7 =	simm.s32 @p2 $0x1082  }
0x22: {  	[simem:s7], [sflag:s8] =	dma.local @!p0 [hbm:s6], $0xF7A  }
0x23: {  	s9 =	sor.u32 $0xD0000000, s2;
	s6 =	simm.s32 $0x108;
	_ =	swait.ge @!p0 [sflag:s8], $0x0  }
0x24: {  	s3 =	sadd.s32 $0x88, s3;
	s6 =	simm.s32 @!p1 $0x1082;
	[sflag:s4] =	ssyncset.s32 $0xFFFFF086  }
0x25: {  	[simem:s6], [sflag:s4] =	dma.local [hbm:s3], $0xF7A  }
0x26: {  	[smem:$0x3F9F] =	sst s1;
	(tag) =	ssettag s2;
	_ =	strace s9  }
0x27: {  	s1 =	sld [smem:$0x3FAF]  }
0x28: {  	s2 =	sld [smem:$0x3FB0]  }
0x29: {  	s4 =	sld [smem:$0x3FB2]  }
0x2a: {  	p0 =	seq.s32 s5, $0x0;
	s5 =	sld [smem:$0x3FB3]  }
0x2b: {  	s6 =	sld [smem:$0x3FB4]  }
0x2c: {  	s7 =	sld [smem:$0x3FB5]  }
0x2d: {  	s3 =	simm.s32 $0x108;
	s8 =	sld [smem:$0x3FB6]  }
0x2e: {  	s3 =	simm.s32 @!p0 $0x1082;
	s9 =	sld [smem:$0x3FB7]  }
0x2f: {  	lr =	sadd.s32 s0, s3;
	s0 =	sld [smem:$0x3FAE]  }
0x30: {  	s3 =	sld [smem:$0x3FB1]  }
0x31: {  	[smem:$0x3FBA] =	sst s10  }
0x32: {  	s10 =	sld [smem:$0x3FB8];
	_ =	sdelay $0x3  }
0x33: {  	p0 =	seq.s32 s10, $0x1;
	s10 =	sld [smem:$0x3FBA];
	_ =	sdelay $0x3  }
0x34: {  	[smem:$0x3FBA] =	sst s10  }
0x35: {  	s10 =	sld [smem:$0x3FB9];
	_ =	sdelay $0x3  }
0x36: {  	p1 =	seq.s32 s10, $0x1;
	s10 =	sld [smem:$0x3FBA];
	_ =	sdelay $0x3  }
0x37: {  	[smem:$0x3FBA] =	sst s10  }
0x38: {  	s10 =	sld [smem:$0x3FBB]  }
0x39: {  	_ = 	snop;
	(pc) =	sbr.ind lr, $3  }
0x3a: {  	_ = 	snop  }
0x3b: {  	_ = 	snop  }
0x3c: {  	p2 =	seq.s32 s10, $0x1;
	s10 =	sld [smem:$0x3FBA]  }
0x3d: {  	_ =	shalt  }
0x3e: {  	_ =	shalt  }
0x3f: {  	_ =	shalt  }
0x40: {  	_ =	shalt  }
0x41: {  	_ =	shalt  }
0x42: {  	_ =	shalt  }
0x43: {  	_ =	shalt  }
0x44: {  	_ =	shalt  }
0x45: {  	_ =	shalt  }
0x46: {  	_ =	shalt  }
0x47: {  	_ =	shalt  }
0x48: {  	_ =	shalt  }
0x49: {  	_ =	shalt  }
0x4a: {  	_ =	shalt  }
0x4b: {  	_ =	shalt  }
0x4c: {  	_ =	shalt  }
0x4d: {  	_ =	shalt  }
0x4e: {  	_ =	shalt  }
0x4f: {  	_ =	shalt  }
0x50: {  	_ =	shalt  }
0x51: {  	_ =	shalt  }
0x52: {  	_ =	shalt  }
0x53: {  	_ =	shalt  }
0x54: {  	_ =	shalt  }
0x55: {  	_ =	shalt  }
0x56: {  	_ =	shalt  }
0x57: {  	_ =	shalt  }
0x58: {  	_ =	shalt  }
0x59: {  	_ =	shalt  }
0x5a: {  	_ =	shalt  }
0x5b: {  	_ =	shalt  }
0x5c: {  	_ =	shalt  }
0x5d: {  	_ =	shalt  }
0x5e: {  	_ =	shalt  }
0x5f: {  	_ =	shalt  }
0x60: {  	_ =	shalt  }
0x61: {  	_ =	shalt  }
0x62: {  	_ =	shalt  }
0x63: {  	_ =	shalt  }
0x64: {  	_ =	shalt  }
0x65: {  	_ =	shalt  }
0x66: {  	_ =	shalt  }
0x67: {  	_ =	shalt  }
0x68: {  	_ =	shalt  }
0x69: {  	_ =	shalt  }
0x6a: {  	_ =	shalt  }
0x6b: {  	_ =	shalt  }
0x6c: {  	_ =	shalt  }
0x6d: {  	_ =	shalt  }
0x6e: {  	_ =	shalt  }
0x6f: {  	_ =	shalt  }
0x70: {  	_ =	shalt  }
0x71: {  	_ =	shalt  }
0x72: {  	_ =	shalt  }
0x73: {  	_ =	shalt  }
0x74: {  	_ =	shalt  }
0x75: {  	_ =	shalt  }
0x76: {  	_ =	shalt  }
0x77: {  	_ =	shalt  }
0x78: {  	_ =	shalt  }
0x79: {  	_ =	shalt  }
0x7a: {  	_ =	shalt  }
0x7b: {  	_ =	shalt  }
0x7c: {  	_ =	shalt  }
0x7d: {  	_ =	shalt  }
0x7e: {  	_ =	shalt  }
0x7f: {  	_ =	shalt  }
0x80: {  	_ =	shalt  }
0x81: {  	_ =	shalt  }
0x82: {  	_ =	shalt  }
0x83: {  	_ =	shalt  }
0x84: {  	_ =	shalt  }
0x85: {  	_ =	shalt  }
0x86: {  	_ =	shalt  }
0x87: {  	_ =	shalt  }
.Lfunc_end0:
.L_simem_size_0:
called_computation_lowered:
.L_overlay_start_0:
0x88: {  	s2 =	sld [smem:$0x3FD9]  }
0x89: {  	s3 =	sld [smem:$0x3FFE];
	_ =	sdelay $0x1  }
0x8a: {  	s1 =	srdreg.scid  }
0x8b: {  	s0 =	sand.u32 $0x1, s1  }
0x8c: {  	s16 =	sshll.u32 s0, $0xA;
	s2 =	sadd.s32 s3, s2  }
0x8d: {  	s2 =	sadd.s32 s2, s16  }
0x8e: {  	[smem:$0x3FC6] =	sst s2  }
0x8f: {  	_ = 	snop  }
0x90: {  	(tm) =	ssettm $0x1  }
0x91: {  	s17 =	sld [smem:$0x3FFB];
	_ =	sdelay $0x3  }
0x92: {  	_ =	strace s17  }
0x93: {  	s2 =	sld [smem:$0x3FFC];
	_ =	sdelay $0x3  }
0x94: {  	_ =	strace s2  }
0x95: {  	s2 =	sld [smem:$0x3FFD];
	_ =	sdelay $0x3  }
0x96: {  	_ =	strace s2  }
0x97: {  	_ =	strace $0x8FFFFFFF  }
0x98: {  	s18 =	sld [smem:$0x3FDB];
	_ =	sdelay $0x1  }
0x99: {  	s19 =	simm.s32 $_scs_section_size  }
0x9a: {  	s4 =	simm.s32 $_size__tile_overlayer_lowered;
	s5 =	simm.s32 $_tile_overlayer_lowered  }
0x9b: {  	s22 =	simm.s32 $0x1BFF;
	s21 =	sshll.u32 s5, $0x1;
	s2 =	sadd.s32 s19, s18  }
0x9c: {  	s6 =	simm.s32 $0x0;
	s20 =	sshll.u32 s4, $0x1;
	s4 =	sadd.s32 s21, s2  }
0x9d: {  	[timem:s6], [sflag:s22] =	dma.local [hbm:s4], s20  }
0x9e: {  	_ =	swait.ge [sflag:s22], s20  }
0x9f: {  	s3 =	ssub.s32 $0x0, s20;
	[sflag:s22] =	ssyncset.done $0x0  }
0xa0: {  	[sflag:s22] =	ssyncadd.s32 s3;
	_ =	sdelay $0x1  }
0xa1: {  	s23 =	simm.s32 $0x1B8B  }
0xa2: {  	_ =	swait.ge [sflag:s23], $0x1  }
0xa3: {  	[sflag:s23] =	ssyncset.done $0x0  }
0xa4: {  	s25 =	simm.s32 $0x1B8E;
	s24 =	sld [smem:$0x3FFE];
	[sflag:s23] =	ssyncadd.s32 $0xFFFFFFFF  }
0xa5: {  	s26 =	simm.s32 $execute0_lowered;
	[smem:$0x3FD2] =	sst s25  }
0xa6: {  	s4 =	sshll.u32 s26, $0x1;
	_ =	strace $0x80000046;
	[dreg:$0x1] =	wrdreg $0xFFFFFFFF  }
0xa7: {  	s28 =	simm.s32 $_size_execute0_lowered;
	s2 =	sadd.s32 s2, s4;
	[dreg:$0x0] =	wrdreg $0x0  }
0xa8: {  	s4 =	sshll.u32 s28, $0x1;
	[dreg:$0x2] =	wrdreg s2  }
0xa9: {  	[dreg:$0x3] =	wrdreg s4  }
0xaa: {  	[dreg:$0x4] =	wrdreg $0xC0  }
0xab: {  	_ =	task [dreg:s6], $0x5FFFF  }
0xac: {  	[dreg:$0x1] =	wrdreg $0xFFFFFFFF  }
0xad: {  	[dreg:$0x0] =	wrdreg $0x60  }
0xae: {  	[dreg:$0x2] =	wrdreg s24  }
0xaf: {  	[dreg:$0x3] =	wrdreg $0x9  }
0xb0: {  	_ =	task.clear_ibuf [dreg:s6], $0x4FFFF;
	_ =	strace $0x90000046  }
0xb1: {  	s29 =	simm.s32 $0x9;
	_ =	strace $0x80000048  }
0xb2: {  	_ =	swait.ge [sflag:s29], $0x1  }
0xb3: {  	[sflag:s29] =	ssyncadd.s32 $0xFFFFFFFF  }
0xb4: {  	_ =	strace $0x90000048  }
0xb5: {  	_ =	sfence  }
0xb6: {  	s30 =	sld [smem:$0x0];
	_ =	sdelay $0x2  }
0xb7: {  	s31 =	sshll.u32 s1, $0xD;
	s1 =	sshrl.u32 s1, $0x2  }
0xb8: {  	s3 =	sand.u32 $0x4000, s31;
	s1 =	sadd.s32 s1, s30  }
0xb9: {  	s0 =	sor.u32 s3, s0;
	s1 =	sshll.u32 s1, $0x11  }
0xba: {  	s0 =	sor.u32 s1, s0  }
0xbb: {  	s0 =	sadd.s32 $0x8F2B, s0  }
0xbc: {  	[sflag:s0] =	ssyncadd.remote.s32 $0x1  }
0xbd: {  	_ =	sfence.sel $0xFFFF  }
0xbe: {  	[dreg:$0x0] =	wrdreg $0xFFFFFFFF;
	(pc) =	sbr.abs _section_cstart, $3  }
0xbf: {  	[dreg:$0x1] =	wrdreg $0xFFFFFFFF  }
0xc0: {  	_ =	task.clear_ibuf [dreg:s6], $0x2FFFF;
	_ =	strace $0x9FFFFFFF  }
0xc1: {  	(tm) =	ssettm $0x7FFFFFFF  }
tec
execute0_lowered:
.L_overlay_start_1:
0x0: {  	(tag) =	ssettag $0x1  }
0x1: {  	s1 =	srdreg.scid  }
0x2: {  	s0 =	stileid.u32;
	s3 =	rddreg [dreg:$0x0];
	s2 =	simm.s32 $0x0  }
0x3: {  	s8 =	simm.s32 $0xC000;
	s4 =	sand.u32 $0x1, s1;
	s5 =	sshll.u32 s0, $0x1  }
0x4: {  	s9 =	simm.s32 $0x18000;
	s1 =	rddreg [dreg:$0x1];
	s5 =	sor.u32 s4, s5  }
0x5: {  	s10 =	simm.s32 $0x0;
	[smem:$0x7FF] =	sst s2;
	s6 =	smul.u32 $0x1800, s5  }
0x6: {  	_ =	strace $0x80000047;
	s4 =	ssub.s32 $0x2, s4;
	s5 =	sshll.u32 s5, $0x4  }
0x7: {  	s31 =	sshrl.u32 s4, $0x1;
	s5 =	sadd.s32 s5, s3;
	s6 =	sadd.s32 s6, s3  }
0x8: {  	s7 =	ssub.s32 s4, s31;
	s5 =	sadd.s32 $0x61000, s5;
	s3 =	sadd.s32 $0x1000, s6  }
0x9: {  	s4 =	sadd.s32 $0x31000, s6;
	s6 =	smax.u32 s7, $0x1;
	s7 =	simm.s32 $0x1  }
.LBB2_1:
0xa: {  	[tilespmem:s2], [sflag:$0x1] =	stream.linear.gather [hbm4b:s3+s2], $0xC000, $0x38;
	[tilespmem:$0x18080] =	vst v63  }
0xb: {  	_ =	swait.ge [sflag:s7], $0xC000  }
0xc: {  	[sflag:s7] =	ssyncset.done $0x0  }
0xd: {  	[sflag:s7] =	ssyncadd.s32 $0xFFFF4000  }
0xe: {  	[tilespmem:s8], [sflag:$0x1] =	stream.linear.gather [hbm4b:s4+s2], $0xC000, $0x38;
	[tilespmem:$0x18080] =	vst v63  }
0xf: {  	_ =	swait.ge [sflag:s7], $0xC000  }
0x10: {  	[sflag:s7] =	ssyncset.done $0x0  }
0x11: {  	s11 =	simm.s32 $0x0;
	[sflag:s7] =	ssyncadd.s32 $0xFFFF4000  }
0x12: {  	v0 =	vld [tilespmem:s11+$0x0]  }
0x13: {  	v1 =	vld [tilespmem:s11+$0xC000];
	_ =	sdelay $0x4  }
0x14: {  	(xrf1) =	vsort.dscd.msk.f32 $0xffff, v0, v1;
	_ =	sdelay $0xd  }
0x15: {  	v0, v2, _ =	vpop (xrf1)  }
0x16: {  	(v2sf) =	vpush v0, $0x0;
	_ =	sdelay $0xe  }
0x17: {  	s11 =	simm.f32 $-Inf;
	s12 =	spop (v2sf)  }
0x18: {  	p0 =	sgt.f32 s12, s11;
	_ =	sdelay $0x1  }
0x19: {  	v1 =	vlaneseq.u32 @p0  }
0x1a: {  	v1 =	vmul.u32 @p0 $0xFFFFFFFF, v1;
	_ =	sdelay $0x1  }
0x1b: {  	v4 =	vadd.s32 @p0 $0xF, v1  }
0x1c: {  	v3 =	vperm.xlane @p0 v0, v4  }
0x1d: {  	v1 =	vimm.f32 $-Inf;
	v2 =	vperm.xlane @p0 v2, v4  }
0x1e: {  	v0 =	vimm.f32 $0.0e+00;
	vm0 =	vge.f32 @p0 v1, v3  }
0x1f: {  	v3 =	vsel @p0 vm0, v1, v3;
	v2 =	vsel @p0 vm0, v0, v2  }
0x20: {  	s12 =	simm.s32 $0x40;
	(xrf1) =	vsort.dscd.msk.f32 @p0 $0xffff, v3, v2;
	v3 =	vimm.f32 $-Inf;
	v2 =	vimm.f32 $0.0e+00  }
.LBB2_2:
0x21: {  	_ =	sdelay $0x8  }
0x22: {  	s13 =	sshra.s32 s12, $0x2  }
0x23: {  	v5 =	vld [tilespmem:s13+$0x0]  }
0x24: {  	v6 =	vld [tilespmem:s13+$0xC000];
	_ =	sdelay $0x1  }
0x25: {  	s12 =	sadd.s32 $0x40, s12;
	v7, v8, _ =	vpop @p0 (xrf1)  }
0x26: {  	p1 =	sne.s32 s12, $0x30000;
	v7 =	vperm.xlane @p0 v7, v4  }
0x27: {  	v4 =	vperm.xlane @p0 v8, v4  }
0x28: {  	(xrf1) =	vsort.dscd.msk.f32 $0xffff, v5, v6;
	vm0 =	vge.f32 @p0 v1, v7  }
0x29: {  	v5 =	vsel @p0 vm0, v0, v4;
	v6 =	vsel @p0 vm0, v7, v1;
	v4 =	vsel @p0 vm0, v4, v0  }
0x2a: {  	v7 =	vsel @p0 vm0, v1, v7;
	(xrf1) =	vsort.dscd.msk.f32 @p0 $0xffff, v6, v4  }
0x2b: {  	(xrf1) =	vsort.dscd.msk.f32 @p0 $0xffff, v7, v5;
	_ =	sdelay $0xa  }
0x2c: {  	v5, v6, _ =	vpop (xrf1);
	_ =	sdelay $0x1  }
0x2d: {  	v4, v7, _ =	vpop @p0 (xrf1)  }
0x2e: {  	v3 =	vpsel p0, v4, v3;
	v2 =	vpsel p0, v7, v2;
	v7, v8, _ =	vpop @p0 (xrf1);
	(v2sf) =	vpush @p0 v4, $0xF  }
0x2f: {  	(v2sf) =	vpush v5, $0x0;
	v1 =	vpsel p0, v7, v1;
	v0 =	vpsel p0, v8, v0;
	_ =	sdelay $0xd  }
0x30: {  	s13 =	spop @p0 (v2sf)  }
0x31: {  	s14 =	spop (v2sf);
	s11 =	smov.u32 @p0 s13  }
0x32: {  	p0 =	sgt.f32 s14, s11;
	_ =	sdelay $0x1  }
0x33: {  	v4 =	vlaneseq.u32 @p0  }
0x34: {  	v4 =	vmul.u32 @p0 $0xFFFFFFFF, v4;
	_ =	sdelay $0x1  }
0x35: {  	v4 =	vadd.s32 @p0 $0xF, v4  }
.Ltmp0:
0x36: {  	v5 =	vperm.xlane @p0 v5, v4;
	(pc) =	sbr.rel @p1 .LBB2_2-.Ltmp0, $4  }
0x37: {  	v6 =	vperm.xlane @p0 v6, v4  }
0x38: {  	vm0 =	vge.f32 @p0 v3, v5  }
0x39: {  	v5 =	vsel @p0 vm0, v3, v5;
	v6 =	vsel @p0 vm0, v2, v6  }
0x3a: {  	(xrf1) =	vsort.dscd.msk.f32 @p0 $0xffff, v5, v6  }
0x3b: {  	_ =	sdelay $0xc  }
0x3c: {  	v5, v6, _ =	vpop @p0 (xrf1)  }
0x3d: {  	v5 =	vperm.xlane @p0 v5, v4  }
0x3e: {  	v4 =	vperm.xlane @p0 v6, v4  }
0x3f: {  	vm0 =	vge.f32 @p0 v1, v5  }
0x40: {  	v6 =	vsel @p0 vm0, v5, v1;
	v7 =	vsel @p0 vm0, v4, v0  }
0x41: {  	(xrf1) =	vsort.dscd.msk.f32 @p0 $0xffff, v6, v7;
	_ =	sdelay $0x9  }
0x42: {  	v5 =	vsel @p0 vm0, v1, v5  }
0x43: {  	v4 =	vsel @p0 vm0, v0, v4;
	_ =	sdelay $0x2  }
0x44: {  	(xrf1) =	vsort.dscd.msk.f32 @p0 $0xffff, v5, v4;
	v4, v5, _ =	vpop @p0 (xrf1)  }
0x45: {  	(v2sf) =	vpush @p0 v4, $0xF;
	_ =	sdelay $0xb  }
0x46: {  	v3 =	vpsel p0, v4, v3  }
0x47: {  	v6, v7, _ =	vpop @p0 (xrf1);
	v63 =	vpsel p0, v5, v2;
	[tilespmem:$0x18010] =	vst v3  }
0x48: {  	s10 =	sadd.s32 $0x1, s10;
	v61 =	vpsel p0, v6, v1;
	[tilespmem:$0x18030] =	vst v63  }
0x49: {  	v62 =	vpsel p0, v7, v0;
	[tilespmem:$0x18000] =	vst v61;
	s11 =	spop @p0 (v2sf);
	p0 =	sne.s32 s10, s6  }
.Ltmp1:
0x4a: {  	[tilespmem:$0x18020] =	vst v62;
	(pc) =	sbr.rel @p0 .LBB2_1-.Ltmp1, $4  }
0x4b: {  	[hbm4b:s5+s2] =	stream.linear.scatter [tilespmem:s9], [sflag:$0x1], $0x80, $0x38;
	[tilespmem:$0x18080] =	vst v63  }
0x4c: {  	_ =	swait.ge [sflag:s7], $0x80  }
0x4d: {  	[sflag:s7] =	ssyncset.done $0x0  }
0x4e: {  	[sflag:s7] =	ssyncadd.s32 $0xFFFFFF80  }
0x4f: {  	_ =	sfence.sel $0x180000  }
0x50: {  	[bflag:$0x0] =	sbarrier.arrive $0xFFFF  }
0x51: {  	p0 =	sne.s32 s0, $0x0;
	_ =	strace $0x90000047  }
0x52: {  	s0 =	sadd.s32 @!p0 $0x100000, s1;
	[bflag:$0x2] =	sbarrier.arrive $0xFFFF  }
0x53: {  	[sflag:s0] =	ssyncadd.tile.s32 @!p0 $0x1;
	_ =	shalt  }
.Lfunc_end2:
_tile_overlayer_lowered:
.L_overlay_start_2:
0x54: {  	(tag) =	ssettag $0x2  }
0x55: {  	s0 =	rddreg [dreg:$0x0];
	s2 =	stileid.u32  }
0x56: {  	s1 =	rddreg [dreg:$0x1];
	p0 =	sne.s32 s2, $0x0  }
0x57: {  	s3 =	rddreg [dreg:$0x2];
	[bflag:$0x3] =	sbarrier.arrive $0xFFFF;
	s2 =	simm.s32 @!p0 $0x1C01  }
0x58: {  	[timem:s3], [sflag:s2] =	dma.local @!p0 [hbm:s0], s1  }
0x59: {  	s0 =	simm.s32 @!p0 $0x1  }
0x5a: {  	_ =	swait.ge @!p0 [sflag:s0], s1  }
0x5b: {  	s1 =	ssub.s32 @!p0 $0x0, s1;
	[sflag:s0] =	ssyncset.done @!p0 $0x0  }
0x5c: {  	[sflag:s0] =	ssyncadd.s32 @!p0 s1  }
0x5d: {  	[bflag:$0x3] =	sbarrier.arrive $0xFFFF  }
0x5e: {  	_ =	shalt  }

</sc_bundles>
